<compile_context>
chip_gen: v7x
topology: tpu7x:2x2x1
jax: 0.10.2.dev20260603
libtpu: 0.0.44.dev20260713+nightly
codegen_flags: <defaults>
</compile_context>

<pallas_src>
import functools

import jax
import jax.numpy as jnp
from jax import lax
from jax.experimental import pallas as pl
from jax.experimental.pallas import tpu as pltpu
from jax.experimental.pallas import tpu_sc as plsc

NC = 2
NS = 16
NW = NC * NS
CB = 80


def _gelu(x):
    return 0.5 * x * (1.0 + lax.erf(x * 0.7071067811865475))


def _iota16():
    return lax.iota(jnp.int32, 16)


def _rsqrt(x):
    xi = plsc.bitcast(x, jnp.int32)
    yi = jnp.int32(0x5F3759DF) - lax.shift_right_logical(xi, 1)
    y = plsc.bitcast(yi, jnp.float32)
    hx = x * 0.5
    for _ in range(3):
        y = y * (1.5 - hx * y * y)
    return y


def _edge_geom_kernel(E, N):
    epw = E // NW
    nchunk = epw // CB
    mesh = plsc.VectorSubcoreMesh(core_axis_name="c", subcore_axis_name="s")

    @functools.partial(
        pl.kernel,
        mesh=mesh,
        out_type=jax.ShapeDtypeStruct((E * 4,), jnp.float32),
        compiler_params=pltpu.CompilerParams(needs_layout_passes=False),
        scratch_types=[
            pltpu.VMEM((N,), jnp.float32),
            pltpu.VMEM((N,), jnp.float32),
            pltpu.VMEM((N,), jnp.float32),
            pltpu.VMEM((E // NW,), jnp.int32),
            pltpu.VMEM((E // NW,), jnp.int32),
            pltpu.VMEM((CB * 4,), jnp.float32),
        ],
    )
    def k(px_hbm, py_hbm, pz_hbm, src_hbm, dst_hbm, out_hbm,
          px_v, py_v, pz_v, src_v, dst_v, o_v):
        wid = lax.axis_index("s") * NC + lax.axis_index("c")
        base0 = wid * epw
        pltpu.sync_copy(px_hbm, px_v)
        pltpu.sync_copy(py_hbm, py_v)
        pltpu.sync_copy(pz_hbm, pz_v)
        pltpu.sync_copy(src_hbm.at[pl.ds(base0, epw)], src_v)
        pltpu.sync_copy(dst_hbm.at[pl.ds(base0, epw)], dst_v)
        it = _iota16()

        def chunk(g, _):
            base = base0 + g * CB

            def grp(t, _):
                si = src_v[pl.ds(g * CB + t * 16, 16)]
                di = dst_v[pl.ds(g * CB + t * 16, 16)]
                dx = plsc.load_gather(px_v, [di]) - plsc.load_gather(px_v, [si])
                dy = plsc.load_gather(py_v, [di]) - plsc.load_gather(py_v, [si])
                dz = plsc.load_gather(pz_v, [di]) - plsc.load_gather(pz_v, [si])
                r2 = jnp.maximum(dx * dx + dy * dy + dz * dz, 1e-24)
                dist = r2 * _rsqrt(r2)
                inv = 1.0 / (dist + 1e-6)
                fo = (it + t * 16) * 4
                plsc.store_scatter(o_v, [fo], dist)
                plsc.store_scatter(o_v, [fo + 1], dx * inv)
                plsc.store_scatter(o_v, [fo + 2], dy * inv)
                plsc.store_scatter(o_v, [fo + 3], dz * inv)
                return 0

            lax.fori_loop(0, CB // 16, grp, 0)
            pltpu.sync_copy(o_v, out_hbm.at[pl.ds(base * 4, CB * 4)])
            return 0

        lax.fori_loop(0, nchunk, chunk, 0)

    return k


def _msg_scatter_kernel(E, N, cb):
    epc = E // NC
    eps = epc // NS
    nchunk = eps // cb
    assert eps % cb == 0
    npair = nchunk // 2
    tail = nchunk % 2
    zrows = (N // NS) // 8 * 8
    rem = N - zrows * NS
    mesh = plsc.VectorSubcoreMesh(core_axis_name="c", subcore_axis_name="s")

    @functools.partial(
        pl.kernel,
        mesh=mesh,
        out_type=jax.ShapeDtypeStruct((NC, N, 128), jnp.float32),
        compiler_params=pltpu.CompilerParams(needs_layout_passes=False),
        scratch_types=[
            pltpu.VMEM((cb,), jnp.int32),
            pltpu.VMEM((cb,), jnp.int32),
            pltpu.VMEM((cb, 128), jnp.float32),
            pltpu.VMEM((cb, 128), jnp.float32),
            pltpu.VMEM((cb,), jnp.int32),
            pltpu.VMEM((cb,), jnp.int32),
            pltpu.VMEM((cb, 128), jnp.float32),
            pltpu.VMEM((cb, 128), jnp.float32),
            pltpu.VMEM_SHARED((N, 128), jnp.float32),
            pltpu.SemaphoreType.DMA,
            pltpu.SemaphoreType.DMA,
            pltpu.SemaphoreType.DMA,
            pltpu.SemaphoreType.DMA,
            pltpu.SemaphoreType.DMA,
            pltpu.SemaphoreType.DMA,
            pltpu.SemaphoreType.DMA,
            pltpu.SemaphoreType.DMA,
        ],
    )
    def k(nf_hbm, er_hbm, src_hbm, dst_hbm, zero_hbm, out_hbm,
          si_a, di_a, nf_a, er_a, si_b, di_b, nf_b, er_b,
          agg_sh, sna, sea, snb, seb, ssa, sda, ssb, sdb):
        cid = lax.axis_index("c")
        sid = lax.axis_index("s")
        base0 = cid * epc + sid * eps

        pltpu.sync_copy(zero_hbm, agg_sh.at[pl.ds(sid * zrows, zrows)])
        if rem:
            @pl.when(sid == NS - 1)
            def _():
                pltpu.sync_copy(zero_hbm.at[pl.ds(0, rem)],
                                agg_sh.at[pl.ds(NS * zrows, rem)])
        plsc.subcore_barrier()

        def start(g, si_v, di_v, nf_v, er_v, ssi, sdi, snf, ser):
            base = base0 + g * cb
            pltpu.sync_copy(src_hbm.at[pl.ds(base, cb)], si_v)
            c_di = pltpu.async_copy(dst_hbm.at[pl.ds(base, cb)], di_v, sdi)
            cp1 = pltpu.async_copy(nf_hbm.at[si_v], nf_v, snf)
            cp2 = pltpu.async_copy(er_hbm.at[pl.ds(base, cb)], er_v, ser)
            return cp1, cp2, c_di

        def finish(cps, di_v, nf_v, er_v):
            cp1, cp2, c_di = cps
            cp1.wait()
            cp2.wait()

            def mul(e, _):
                for j in range(8):
                    s = pl.ds(j * 16, 16)
                    nf_v[e, s] = nf_v[e, s] * er_v[e, s]
                return 0

            lax.fori_loop(0, cb, mul, 0)
            c_di.wait()
            pltpu.sync_copy(nf_v, agg_sh.at[di_v], add=True)

        def pair(h, _):
            cps_a = start(2 * h, si_a, di_a, nf_a, er_a, ssa, sda, sna, sea)
            cps_b = start(2 * h + 1, si_b, di_b, nf_b, er_b, ssb, sdb,
                          snb, seb)
            finish(cps_a, di_a, nf_a, er_a)
            finish(cps_b, di_b, nf_b, er_b)
            return 0

        lax.fori_loop(0, npair, pair, 0)
        if tail:
            cps = start(nchunk - 1, si_a, di_a, nf_a, er_a, ssa, sda,
                        sna, sea)
            finish(cps, di_a, nf_a, er_a)
        plsc.subcore_barrier()
        pltpu.sync_copy(agg_sh.at[pl.ds(sid * zrows, zrows)],
                        out_hbm.at[cid, pl.ds(sid * zrows, zrows)])
        if rem:
            @pl.when(sid == NS - 1)
            def _():
                pltpu.sync_copy(agg_sh.at[pl.ds(NS * zrows, rem)],
                                out_hbm.at[cid, pl.ds(NS * zrows, rem)])

    return k


def _edge_mlp(edge_in, We, be):
    E = edge_in.shape[0]
    BE = 8000
    grid = E // BE

    def body(x_ref, we_ref, be_ref, o_ref):
        h = jnp.dot(x_ref[...], we_ref[...],
                    preferred_element_type=jnp.float32) + be_ref[...]
        o_ref[...] = _gelu(h)

    return pl.pallas_call(
        body,
        grid=(grid,),
        in_specs=[
            pl.BlockSpec((BE, 4), lambda i: (i, 0)),
            pl.BlockSpec((4, 128), lambda i: (0, 0)),
            pl.BlockSpec((1, 128), lambda i: (0, 0)),
        ],
        out_specs=pl.BlockSpec((BE, 128), lambda i: (i, 0)),
        out_shape=jax.ShapeDtypeStruct((E, 128), jnp.float32),
    )(edge_in, We, be)


def _node_mlp(partials, Wn, bn):
    N = partials[0].shape[1]
    BN = 2000
    grid = N // BN

    np_ = len(partials)

    def body(*refs):
        p_refs, (wn_ref, bn_ref, o_ref) = refs[:np_], refs[np_:]
        agg = sum(p[0] + p[1] for p in p_refs)
        h = jnp.dot(agg, wn_ref[...],
                    preferred_element_type=jnp.float32) + bn_ref[...]
        o_ref[...] = _gelu(h)

    return pl.pallas_call(
        body,
        grid=(grid,),
        in_specs=[pl.BlockSpec((2, BN, 128), lambda i: (0, i, 0))
                  for _ in range(np_)] + [
            pl.BlockSpec((128, 128), lambda i: (0, 0)),
            pl.BlockSpec((1, 128), lambda i: (0, 0)),
        ],
        out_specs=pl.BlockSpec((BN, 128), lambda i: (i, 0)),
        out_shape=jax.ShapeDtypeStruct((N, 128), jnp.float32),
    )(*partials, Wn, bn)


def kernel(node_features, positions, edge_index, We, be, Wn, bn):
    N, D = node_features.shape
    E = edge_index.shape[0]
    ei = edge_index.astype(jnp.int32)
    src = ei[:, 0]
    dst = ei[:, 1]
    px = positions[:, 0]
    py = positions[:, 1]
    pz = positions[:, 2]

    edge_in = _edge_geom_kernel(E, N)(px, py, pz, src, dst).reshape(E, 4)
    edge_repr = _edge_mlp(edge_in, We, be.reshape(1, 128))

    zrows = (N // NS) // 8 * 8
    zero = jnp.zeros((zrows, 128), jnp.float32)
    partials = _msg_scatter_kernel(E, N, CB)(node_features, edge_repr,
                                             src, dst, zero)
    return _node_mlp([partials], Wn, bn.reshape(1, 128))

# --- scband reference (transcript-rebuilt; emitter-appended) ---
"""Pipeline reference for scband-se3-message-passing-43138651521075 (READ-ONLY COPY).

The authoritative reference and input builder live on the scoring server;
editing this copy changes nothing except your own understanding.
"""

import jax, jax.numpy as jnp
import numpy as np

N_NODES = 10000
N_EDGES = 320000
D_FEAT = 128
HIDDEN = 128

def setup_inputs(seed: int = 0) -> dict:
    key = jax.random.key(seed)
    k1, k2, k3, k4, k5, k6 = jax.random.split(key, 6)
    node_features = jax.random.normal(k1, (N_NODES, D_FEAT), dtype=jnp.float32)
    positions = jax.random.normal(k2, (N_NODES, 3), dtype=jnp.float32)
    edge_index = jax.random.randint(k3, (N_EDGES, 2), 0, N_NODES, dtype=jnp.int64)
    # edge_dense: input dim 4 (distance + 3d unit vector) -> HIDDEN
    lim_e = float(np.sqrt(6.0 / (4 + HIDDEN)))
    We = jax.random.uniform(k4, (4, HIDDEN), minval=-lim_e, maxval=lim_e, dtype=jnp.float32)
    be = jnp.zeros((HIDDEN,), dtype=jnp.float32)
    # node_dense: HIDDEN -> HIDDEN
    lim_n = float(np.sqrt(6.0 / (HIDDEN + HIDDEN)))
    Wn = jax.random.uniform(k5, (HIDDEN, HIDDEN), minval=-lim_n, maxval=lim_n, dtype=jnp.float32)
    bn = jnp.zeros((HIDDEN,), dtype=jnp.float32)
    return {"node_features": node_features, "positions": positions, "edge_index": edge_index,
            "We": We, "be": be, "Wn": Wn, "bn": bn}

def reference(node_features, positions, edge_index, We, be, Wn, bn):
    ei = edge_index.astype(jnp.int32)
    src_idx = ei[:, 0]
    dst_idx = ei[:, 1]
    rel = jnp.take(positions, dst_idx, axis=0) - jnp.take(positions, src_idx, axis=0)
    distances = jnp.linalg.norm(rel, axis=-1, keepdims=True)
    rel_unit = rel / (distances + 1e-06)
    edge_repr = jnp.concatenate([distances, rel_unit], axis=-1)
    edge_repr = jax.nn.gelu(edge_repr @ We + be, approximate=False)
    src = jnp.take(node_features, src_idx, axis=0)
    msg = src * edge_repr
    agg = jax.ops.segment_sum(msg, dst_idx, num_segments=node_features.shape[0])
    out = jax.nn.gelu(agg @ Wn + bn, approximate=False)
    return out

if __name__ == "__main__":
    import jax
    _d = setup_inputs()
    print(jax.jit(kernel)(*tuple(_d.values())))

</pallas_src>

<mosaic_0001>
#map = affine_map<(d0, d1) -> (0, 0)>
#map1 = affine_map<(d0, d1) -> (0)>
#map2 = affine_map<(d0, d1) -> (0, 0, 0)>
module attributes {stable_mosaic.version = 14 : i64} {
  func.func @k(%arg0: i32, %arg1: i32, %arg2: memref<10000x128xf32, #tpu.memory_space<hbm>>, %arg3: memref<320000x128xf32, #tpu.memory_space<hbm>>, %arg4: memref<320000xi32, #tpu.memory_space<hbm>>, %arg5: memref<320000xi32, #tpu.memory_space<hbm>>, %arg6: memref<624x128xf32, #tpu.memory_space<hbm>>, %arg7: memref<2x10000x128xf32, #tpu.memory_space<hbm>>, %arg8: memref<80xi32, #tpu.memory_space<vmem>>, %arg9: memref<80xi32, #tpu.memory_space<vmem>>, %arg10: memref<80x128xf32, #tpu.memory_space<vmem>>, %arg11: memref<80x128xf32, #tpu.memory_space<vmem>>, %arg12: memref<80xi32, #tpu.memory_space<vmem>>, %arg13: memref<80xi32, #tpu.memory_space<vmem>>, %arg14: memref<80x128xf32, #tpu.memory_space<vmem>>, %arg15: memref<80x128xf32, #tpu.memory_space<vmem>>, %arg16: memref<10000x128xf32, #tpu.memory_space<vmem_shared>>, %arg17: memref<!tpu.dma_semaphore, #tpu.memory_space<semaphore_mem>>, %arg18: memref<!tpu.dma_semaphore, #tpu.memory_space<semaphore_mem>>, %arg19: memref<!tpu.dma_semaphore, #tpu.memory_space<semaphore_mem>>, %arg20: memref<!tpu.dma_semaphore, #tpu.memory_space<semaphore_mem>>, %arg21: memref<!tpu.dma_semaphore, #tpu.memory_space<semaphore_mem>>, %arg22: memref<!tpu.dma_semaphore, #tpu.memory_space<semaphore_mem>>, %arg23: memref<!tpu.dma_semaphore, #tpu.memory_space<semaphore_mem>>, %arg24: memref<!tpu.dma_semaphore, #tpu.memory_space<semaphore_mem>>) attributes {dimension_semantics = [#tpu.dimension_semantics<core_parallel>, #tpu.dimension_semantics<subcore_parallel>], iteration_bounds = array<i64: 2, 16>, scalar_prefetch = 0 : i64, scratch_operands = 17 : i64, tpu.core_type = #tpu.core_type<sc_vector_subcore>, window_params = [{transform_indices = #map}, {transform_indices = #map}, {transform_indices = #map1}, {transform_indices = #map1}, {transform_indices = #map}, {transform_indices = #map2}]} {
    %mul3A = arith.constant 160000 : i32
    %mul3A_0 = arith.muli %arg0, %mul3A : i32
    %mul3A_1 = arith.constant 10000 : i32
    %mul3A_2 = arith.muli %arg1, %mul3A_1 : i32
    %add3A = arith.addi %mul3A_0, %mul3A_2 : i32
    %mul3A_3 = arith.constant 624 : i32
    %mul3A_4 = arith.muli %arg1, %mul3A_3 : i32
    "tpu.region"() ({
      %run_scoped3A = tpu.sem_alloc : memref<!tpu.dma_semaphore, #tpu.memory_space<semaphore_mem>>
      %dma_start3A_48 = arith.constant 0 : i32
      %dma_start3A_49 = tpu.memref_slice %arg16[%mul3A_4, %dma_start3A_48] : memref<10000x128xf32, #tpu.memory_space<vmem_shared>> -> memref<624x128xf32, #tpu.memory_space<vmem_shared>>
      tpu.enqueue_dma source(%arg6 : memref<624x128xf32, #tpu.memory_space<hbm>>) target(%dma_start3A_49 : memref<624x128xf32, #tpu.memory_space<vmem_shared>>) target_semaphore(%run_scoped3A : memref<!tpu.dma_semaphore, #tpu.memory_space<semaphore_mem>>)
      %dma_wait3A_50 = arith.constant 0 : i32
      %dma_wait3A_51 = tpu.memref_slice %arg16[%mul3A_4, %dma_wait3A_50] : memref<10000x128xf32, #tpu.memory_space<vmem_shared>> -> memref<624x128xf32, #tpu.memory_space<vmem_shared>>
      tpu.wait_dma2 semaphore(%run_scoped3A : memref<!tpu.dma_semaphore, #tpu.memory_space<semaphore_mem>>) src(%arg6 : memref<624x128xf32, #tpu.memory_space<hbm>>) dst(%dma_wait3A_51 : memref<624x128xf32, #tpu.memory_space<vmem_shared>>)
      tpu.yield
    }) : () -> ()
    %eq3A = arith.constant 15 : i32
    %eq3A_5 = arith.cmpi eq, %arg1, %eq3A : i32
    %convert_element_type3A = arith.extui %eq3A_5 : i1 to i32
    %cond3A = arith.constant 0 : i32
    %cond3A_6 = arith.cmpi ne, %convert_element_type3A, %cond3A : i32
    scf.if %cond3A_6 {
      "tpu.region"() ({
        %run_scoped3A = tpu.sem_alloc : memref<!tpu.dma_semaphore, #tpu.memory_space<semaphore_mem>>
        %dma_start3A_48 = arith.constant 9984 : i32
        %dma_start3A_49 = arith.constant 0 : i32
        %dma_start3A_50 = tpu.memref_slice %arg16[%dma_start3A_48, %dma_start3A_49] : memref<10000x128xf32, #tpu.memory_space<vmem_shared>> -> memref<16x128xf32, #tpu.memory_space<vmem_shared>>
        %dma_start3A_51 = arith.constant 0 : i32
        %dma_start3A_52 = arith.constant 0 : i32
        %dma_start3A_53 = tpu.memref_slice %arg6[%dma_start3A_51, %dma_start3A_52] : memref<624x128xf32, #tpu.memory_space<hbm>> -> memref<16x128xf32, #tpu.memory_space<hbm>>
        tpu.enqueue_dma source(%dma_start3A_53 : memref<16x128xf32, #tpu.memory_space<hbm>>) target(%dma_start3A_50 : memref<16x128xf32, #tpu.memory_space<vmem_shared>>) target_semaphore(%run_scoped3A : memref<!tpu.dma_semaphore, #tpu.memory_space<semaphore_mem>>)
        %dma_wait3A_54 = arith.constant 9984 : i32
        %dma_wait3A_55 = arith.constant 0 : i32
        %dma_wait3A_56 = tpu.memref_slice %arg16[%dma_wait3A_54, %dma_wait3A_55] : memref<10000x128xf32, #tpu.memory_space<vmem_shared>> -> memref<16x128xf32, #tpu.memory_space<vmem_shared>>
        %dma_wait3A_57 = arith.constant 0 : i32
        %dma_wait3A_58 = arith.constant 0 : i32
        %dma_wait3A_59 = tpu.memref_slice %arg6[%dma_wait3A_57, %dma_wait3A_58] : memref<624x128xf32, #tpu.memory_space<hbm>> -> memref<16x128xf32, #tpu.memory_space<hbm>>
        tpu.wait_dma2 semaphore(%run_scoped3A : memref<!tpu.dma_semaphore, #tpu.memory_space<semaphore_mem>>) src(%dma_wait3A_59 : memref<16x128xf32, #tpu.memory_space<hbm>>) dst(%dma_wait3A_56 : memref<16x128xf32, #tpu.memory_space<vmem_shared>>)
        tpu.yield
      }) : () -> ()
    } else {
    }
    %barrier3A = arith.constant 0 : index
    tpu.barrier barrier_id(%barrier3A)
    %scan3A = arith.constant 0 : i32
    %scan3A_7 = arith.constant 0 : i32
    %scan3A_8 = arith.constant 62 : i32
    %scan3A_9 = arith.addi %scan3A_7, %scan3A_8 : i32
    %scan3A_10 = arith.constant 1 : i32
    %scan3A_11 = scf.for %scan3A_48 = %scan3A_7 to %scan3A_9 step %scan3A_10 iter_args(%scan3A_49 = %scan3A) -> (i32)  : i32 {
      %mul3A_50 = arith.constant 2 : i32
      %mul3A_51 = arith.muli %mul3A_50, %scan3A_48 : i32
      %mul3A_52 = arith.constant 80 : i32
      %mul3A_53 = arith.muli %mul3A_51, %mul3A_52 : i32
      %add3A_54 = arith.addi %add3A, %mul3A_53 : i32
      "tpu.region"() ({
        %run_scoped3A = tpu.sem_alloc : memref<!tpu.dma_semaphore, #tpu.memory_space<semaphore_mem>>
        %dma_start3A_113 = tpu.memref_slice %arg4[%add3A_54] : memref<320000xi32, #tpu.memory_space<hbm>> -> memref<80xi32, #tpu.memory_space<hbm>>
        %dma_start3A_114 = tpu.memref_slice %arg4[%add3A_54] : memref<320000xi32, #tpu.memory_space<hbm>> -> memref<80xi32, #tpu.memory_space<hbm>>
        tpu.enqueue_dma source(%dma_start3A_114 : memref<80xi32, #tpu.memory_space<hbm>>) target(%arg8 : memref<80xi32, #tpu.memory_space<vmem>>) target_semaphore(%run_scoped3A : memref<!tpu.dma_semaphore, #tpu.memory_space<semaphore_mem>>)
        %dma_wait3A_115 = tpu.memref_slice %arg4[%add3A_54] : memref<320000xi32, #tpu.memory_space<hbm>> -> memref<80xi32, #tpu.memory_space<hbm>>
        %dma_wait3A_116 = tpu.memref_slice %arg4[%add3A_54] : memref<320000xi32, #tpu.memory_space<hbm>> -> memref<80xi32, #tpu.memory_space<hbm>>
        tpu.wait_dma2 semaphore(%run_scoped3A : memref<!tpu.dma_semaphore, #tpu.memory_space<semaphore_mem>>) src(%dma_wait3A_116 : memref<80xi32, #tpu.memory_space<hbm>>) dst(%arg8 : memref<80xi32, #tpu.memory_space<vmem>>)
        tpu.yield
      }) : () -> ()
      %dma_start3A_55 = tpu.memref_slice %arg5[%add3A_54] : memref<320000xi32, #tpu.memory_space<hbm>> -> memref<80xi32, #tpu.memory_space<hbm>>
      %dma_start3A_56 = tpu.memref_slice %arg5[%add3A_54] : memref<320000xi32, #tpu.memory_space<hbm>> -> memref<80xi32, #tpu.memory_space<hbm>>
      tpu.enqueue_dma source(%dma_start3A_56 : memref<80xi32, #tpu.memory_space<hbm>>) target(%arg9 : memref<80xi32, #tpu.memory_space<vmem>>) target_semaphore(%arg22 : memref<!tpu.dma_semaphore, #tpu.memory_space<semaphore_mem>>)
      %dma_start3A_57 = arith.constant 0 : i32
      %dma_start3A_58 = arith.constant 0 : i32
      %dma_start3A_59 = tpu.memref_slice %arg2[%dma_start3A_57, %dma_start3A_58] : memref<10000x128xf32, #tpu.memory_space<hbm>> -> memref<10000x128xf32, #tpu.memory_space<hbm>>
      tpu.enqueue_indirect_dma source(%dma_start3A_59 : memref<10000x128xf32, #tpu.memory_space<hbm>>) target(%arg10 : memref<80x128xf32, #tpu.memory_space<vmem>>) offsets(%arg8 : memref<80xi32, #tpu.memory_space<vmem>>) semaphore(%arg17 : memref<!tpu.dma_semaphore, #tpu.memory_space<semaphore_mem>>)
      %dma_start3A_60 = arith.constant 0 : i32
      %dma_start3A_61 = tpu.memref_slice %arg3[%add3A_54, %dma_start3A_60] : memref<320000x128xf32, #tpu.memory_space<hbm>> -> memref<80x128xf32, #tpu.memory_space<hbm>>
      %dma_start3A_62 = arith.constant 0 : i32
      %dma_start3A_63 = tpu.memref_slice %arg3[%add3A_54, %dma_start3A_62] : memref<320000x128xf32, #tpu.memory_space<hbm>> -> memref<80x128xf32, #tpu.memory_space<hbm>>
      tpu.enqueue_dma source(%dma_start3A_63 : memref<80x128xf32, #tpu.memory_space<hbm>>) target(%arg11 : memref<80x128xf32, #tpu.memory_space<vmem>>) target_semaphore(%arg18 : memref<!tpu.dma_semaphore, #tpu.memory_space<semaphore_mem>>)
      %mul3A_64 = arith.constant 2 : i32
      %mul3A_65 = arith.muli %mul3A_64, %scan3A_48 : i32
      %add3A_66 = arith.constant 1 : i32
      %add3A_67 = arith.addi %mul3A_65, %add3A_66 : i32
      %mul3A_68 = arith.constant 80 : i32
      %mul3A_69 = arith.muli %add3A_67, %mul3A_68 : i32
      %add3A_70 = arith.addi %add3A, %mul3A_69 : i32
      "tpu.region"() ({
        %run_scoped3A = tpu.sem_alloc : memref<!tpu.dma_semaphore, #tpu.memory_space<semaphore_mem>>
        %dma_start3A_113 = tpu.memref_slice %arg4[%add3A_70] : memref<320000xi32, #tpu.memory_space<hbm>> -> memref<80xi32, #tpu.memory_space<hbm>>
        %dma_start3A_114 = tpu.memref_slice %arg4[%add3A_70] : memref<320000xi32, #tpu.memory_space<hbm>> -> memref<80xi32, #tpu.memory_space<hbm>>
        tpu.enqueue_dma source(%dma_start3A_114 : memref<80xi32, #tpu.memory_space<hbm>>) target(%arg12 : memref<80xi32, #tpu.memory_space<vmem>>) target_semaphore(%run_scoped3A : memref<!tpu.dma_semaphore, #tpu.memory_space<semaphore_mem>>)
        %dma_wait3A_115 = tpu.memref_slice %arg4[%add3A_70] : memref<320000xi32, #tpu.memory_space<hbm>> -> memref<80xi32, #tpu.memory_space<hbm>>
        %dma_wait3A_116 = tpu.memref_slice %arg4[%add3A_70] : memref<320000xi32, #tpu.memory_space<hbm>> -> memref<80xi32, #tpu.memory_space<hbm>>
        tpu.wait_dma2 semaphore(%run_scoped3A : memref<!tpu.dma_semaphore, #tpu.memory_space<semaphore_mem>>) src(%dma_wait3A_116 : memref<80xi32, #tpu.memory_space<hbm>>) dst(%arg12 : memref<80xi32, #tpu.memory_space<vmem>>)
        tpu.yield
      }) : () -> ()
      %dma_start3A_71 = tpu.memref_slice %arg5[%add3A_70] : memref<320000xi32, #tpu.memory_space<hbm>> -> memref<80xi32, #tpu.memory_space<hbm>>
      %dma_start3A_72 = tpu.memref_slice %arg5[%add3A_70] : memref<320000xi32, #tpu.memory_space<hbm>> -> memref<80xi32, #tpu.memory_space<hbm>>
      tpu.enqueue_dma source(%dma_start3A_72 : memref<80xi32, #tpu.memory_space<hbm>>) target(%arg13 : memref<80xi32, #tpu.memory_space<vmem>>) target_semaphore(%arg24 : memref<!tpu.dma_semaphore, #tpu.memory_space<semaphore_mem>>)
      %dma_start3A_73 = arith.constant 0 : i32
      %dma_start3A_74 = arith.constant 0 : i32
      %dma_start3A_75 = tpu.memref_slice %arg2[%dma_start3A_73, %dma_start3A_74] : memref<10000x128xf32, #tpu.memory_space<hbm>> -> memref<10000x128xf32, #tpu.memory_space<hbm>>
      tpu.enqueue_indirect_dma source(%dma_start3A_75 : memref<10000x128xf32, #tpu.memory_space<hbm>>) target(%arg14 : memref<80x128xf32, #tpu.memory_space<vmem>>) offsets(%arg12 : memref<80xi32, #tpu.memory_space<vmem>>) semaphore(%arg19 : memref<!tpu.dma_semaphore, #tpu.memory_space<semaphore_mem>>)
      %dma_start3A_76 = arith.constant 0 : i32
      %dma_start3A_77 = tpu.memref_slice %arg3[%add3A_70, %dma_start3A_76] : memref<320000x128xf32, #tpu.memory_space<hbm>> -> memref<80x128xf32, #tpu.memory_space<hbm>>
      %dma_start3A_78 = arith.constant 0 : i32
      %dma_start3A_79 = tpu.memref_slice %arg3[%add3A_70, %dma_start3A_78] : memref<320000x128xf32, #tpu.memory_space<hbm>> -> memref<80x128xf32, #tpu.memory_space<hbm>>
      tpu.enqueue_dma source(%dma_start3A_79 : memref<80x128xf32, #tpu.memory_space<hbm>>) target(%arg15 : memref<80x128xf32, #tpu.memory_space<vmem>>) target_semaphore(%arg20 : memref<!tpu.dma_semaphore, #tpu.memory_space<semaphore_mem>>)
      %dma_wait3A_80 = arith.constant 0 : i32
      %dma_wait3A_81 = arith.constant 0 : i32
      %dma_wait3A_82 = tpu.memref_slice %arg2[%dma_wait3A_80, %dma_wait3A_81] : memref<10000x128xf32, #tpu.memory_space<hbm>> -> memref<10000x128xf32, #tpu.memory_space<hbm>>
      tpu.wait_indirect_dma semaphore(%arg17 : memref<!tpu.dma_semaphore, #tpu.memory_space<semaphore_mem>>) src(%dma_wait3A_82 : memref<10000x128xf32, #tpu.memory_space<hbm>>) dst(%arg10 : memref<80x128xf32, #tpu.memory_space<vmem>>)
      %dma_wait3A_83 = arith.constant 0 : i32
      %dma_wait3A_84 = tpu.memref_slice %arg3[%add3A_54, %dma_wait3A_83] : memref<320000x128xf32, #tpu.memory_space<hbm>> -> memref<80x128xf32, #tpu.memory_space<hbm>>
      %dma_wait3A_85 = arith.constant 0 : i32
      %dma_wait3A_86 = tpu.memref_slice %arg3[%add3A_54, %dma_wait3A_85] : memref<320000x128xf32, #tpu.memory_space<hbm>> -> memref<80x128xf32, #tpu.memory_space<hbm>>
      tpu.wait_dma2 semaphore(%arg18 : memref<!tpu.dma_semaphore, #tpu.memory_space<semaphore_mem>>) src(%dma_wait3A_86 : memref<80x128xf32, #tpu.memory_space<hbm>>) dst(%arg11 : memref<80x128xf32, #tpu.memory_space<vmem>>)
      %scan3A_87 = arith.constant 0 : i32
      %scan3A_88 = arith.constant 0 : i32
      %scan3A_89 = arith.constant 80 : i32
      %scan3A_90 = arith.addi %scan3A_88, %scan3A_89 : i32
      %scan3A_91 = arith.constant 1 : i32
      %scan3A_92 = scf.for %scan3A_113 = %scan3A_88 to %scan3A_90 step %scan3A_91 iter_args(%scan3A_114 = %scan3A_87) -> (i32)  : i32 {
        %get3A = arith.index_cast %scan3A_113 : i32 to index
        %get3A_115 = arith.constant 0 : index
        %get3A_116 = tpu.vector_load %arg10[%get3A, %get3A_115] {strides = array<i32>} : memref<80x128xf32, #tpu.memory_space<vmem>>, vector<16xf32>,
        %get3A_117 = arith.index_cast %scan3A_113 : i32 to index
        %get3A_118 = arith.constant 0 : index
        %get3A_119 = tpu.vector_load %arg11[%get3A_117, %get3A_118] {strides = array<i32>} : memref<80x128xf32, #tpu.memory_space<vmem>>, vector<16xf32>,
        %mul3A_120 = arith.mulf %get3A_116, %get3A_119 : vector<16xf32>
        %swap3A = arith.index_cast %scan3A_113 : i32 to index
        %swap3A_121 = arith.constant 0 : index
        %swap3A_122 = tpu.vector_load %arg10[%swap3A, %swap3A_121] {strides = array<i32>} : memref<80x128xf32, #tpu.memory_space<vmem>>, vector<16xf32>,
        tpu.vector_store %arg10[%swap3A, %swap3A_121], %mul3A_120 {strides = array<i32>} : memref<80x128xf32, #tpu.memory_space<vmem>>, vector<16xf32>,
        %get3A_123 = arith.index_cast %scan3A_113 : i32 to index
        %get3A_124 = arith.constant 16 : index
        %get3A_125 = tpu.vector_load %arg10[%get3A_123, %get3A_124] {strides = array<i32>} : memref<80x128xf32, #tpu.memory_space<vmem>>, vector<16xf32>,
        %get3A_126 = arith.index_cast %scan3A_113 : i32 to index
        %get3A_127 = arith.constant 16 : index
        %get3A_128 = tpu.vector_load %arg11[%get3A_126, %get3A_127] {strides = array<i32>} : memref<80x128xf32, #tpu.memory_space<vmem>>, vector<16xf32>,
        %mul3A_129 = arith.mulf %get3A_125, %get3A_128 : vector<16xf32>
        %swap3A_130 = arith.index_cast %scan3A_113 : i32 to index
        %swap3A_131 = arith.constant 16 : index
        %swap3A_132 = tpu.vector_load %arg10[%swap3A_130, %swap3A_131] {strides = array<i32>} : memref<80x128xf32, #tpu.memory_space<vmem>>, vector<16xf32>,
        tpu.vector_store %arg10[%swap3A_130, %swap3A_131], %mul3A_129 {strides = array<i32>} : memref<80x128xf32, #tpu.memory_space<vmem>>, vector<16xf32>,
        %get3A_133 = arith.index_cast %scan3A_113 : i32 to index
        %get3A_134 = arith.constant 32 : index
        %get3A_135 = tpu.vector_load %arg10[%get3A_133, %get3A_134] {strides = array<i32>} : memref<80x128xf32, #tpu.memory_space<vmem>>, vector<16xf32>,
        %get3A_136 = arith.index_cast %scan3A_113 : i32 to index
        %get3A_137 = arith.constant 32 : index
        %get3A_138 = tpu.vector_load %arg11[%get3A_136, %get3A_137] {strides = array<i32>} : memref<80x128xf32, #tpu.memory_space<vmem>>, vector<16xf32>,
        %mul3A_139 = arith.mulf %get3A_135, %get3A_138 : vector<16xf32>
        %swap3A_140 = arith.index_cast %scan3A_113 : i32 to index
        %swap3A_141 = arith.constant 32 : index
        %swap3A_142 = tpu.vector_load %arg10[%swap3A_140, %swap3A_141] {strides = array<i32>} : memref<80x128xf32, #tpu.memory_space<vmem>>, vector<16xf32>,
        tpu.vector_store %arg10[%swap3A_140, %swap3A_141], %mul3A_139 {strides = array<i32>} : memref<80x128xf32, #tpu.memory_space<vmem>>, vector<16xf32>,
        %get3A_143 = arith.index_cast %scan3A_113 : i32 to index
        %get3A_144 = arith.constant 48 : index
        %get3A_145 = tpu.vector_load %arg10[%get3A_143, %get3A_144] {strides = array<i32>} : memref<80x128xf32, #tpu.memory_space<vmem>>, vector<16xf32>,
        %get3A_146 = arith.index_cast %scan3A_113 : i32 to index
        %get3A_147 = arith.constant 48 : index
        %get3A_148 = tpu.vector_load %arg11[%get3A_146, %get3A_147] {strides = array<i32>} : memref<80x128xf32, #tpu.memory_space<vmem>>, vector<16xf32>,
        %mul3A_149 = arith.mulf %get3A_145, %get3A_148 : vector<16xf32>
        %swap3A_150 = arith.index_cast %scan3A_113 : i32 to index
        %swap3A_151 = arith.constant 48 : index
        %swap3A_152 = tpu.vector_load %arg10[%swap3A_150, %swap3A_151] {strides = array<i32>} : memref<80x128xf32, #tpu.memory_space<vmem>>, vector<16xf32>,
        tpu.vector_store %arg10[%swap3A_150, %swap3A_151], %mul3A_149 {strides = array<i32>} : memref<80x128xf32, #tpu.memory_space<vmem>>, vector<16xf32>,
        %get3A_153 = arith.index_cast %scan3A_113 : i32 to index
        %get3A_154 = arith.constant 64 : index
        %get3A_155 = tpu.vector_load %arg10[%get3A_153, %get3A_154] {strides = array<i32>} : memref<80x128xf32, #tpu.memory_space<vmem>>, vector<16xf32>,
        %get3A_156 = arith.index_cast %scan3A_113 : i32 to index
        %get3A_157 = arith.constant 64 : index
        %get3A_158 = tpu.vector_load %arg11[%get3A_156, %get3A_157] {strides = array<i32>} : memref<80x128xf32, #tpu.memory_space<vmem>>, vector<16xf32>,
        %mul3A_159 = arith.mulf %get3A_155, %get3A_158 : vector<16xf32>
        %swap3A_160 = arith.index_cast %scan3A_113 : i32 to index
        %swap3A_161 = arith.constant 64 : index
        %swap3A_162 = tpu.vector_load %arg10[%swap3A_160, %swap3A_161] {strides = array<i32>} : memref<80x128xf32, #tpu.memory_space<vmem>>, vector<16xf32>,
        tpu.vector_store %arg10[%swap3A_160, %swap3A_161], %mul3A_159 {strides = array<i32>} : memref<80x128xf32, #tpu.memory_space<vmem>>, vector<16xf32>,
        %get3A_163 = arith.index_cast %scan3A_113 : i32 to index
        %get3A_164 = arith.constant 80 : index
        %get3A_165 = tpu.vector_load %arg10[%get3A_163, %get3A_164] {strides = array<i32>} : memref<80x128xf32, #tpu.memory_space<vmem>>, vector<16xf32>,
        %get3A_166 = arith.index_cast %scan3A_113 : i32 to index
        %get3A_167 = arith.constant 80 : index
        %get3A_168 = tpu.vector_load %arg11[%get3A_166, %get3A_167] {strides = array<i32>} : memref<80x128xf32, #tpu.memory_space<vmem>>, vector<16xf32>,
        %mul3A_169 = arith.mulf %get3A_165, %get3A_168 : vector<16xf32>
        %swap3A_170 = arith.index_cast %scan3A_113 : i32 to index
        %swap3A_171 = arith.constant 80 : index
        %swap3A_172 = tpu.vector_load %arg10[%swap3A_170, %swap3A_171] {strides = array<i32>} : memref<80x128xf32, #tpu.memory_space<vmem>>, vector<16xf32>,
        tpu.vector_store %arg10[%swap3A_170, %swap3A_171], %mul3A_169 {strides = array<i32>} : memref<80x128xf32, #tpu.memory_space<vmem>>, vector<16xf32>,
        %get3A_173 = arith.index_cast %scan3A_113 : i32 to index
        %get3A_174 = arith.constant 96 : index
        %get3A_175 = tpu.vector_load %arg10[%get3A_173, %get3A_174] {strides = array<i32>} : memref<80x128xf32, #tpu.memory_space<vmem>>, vector<16xf32>,
        %get3A_176 = arith.index_cast %scan3A_113 : i32 to index
        %get3A_177 = arith.constant 96 : index
        %get3A_178 = tpu.vector_load %arg11[%get3A_176, %get3A_177] {strides = array<i32>} : memref<80x128xf32, #tpu.memory_space<vmem>>, vector<16xf32>,
        %mul3A_179 = arith.mulf %get3A_175, %get3A_178 : vector<16xf32>
        %swap3A_180 = arith.index_cast %scan3A_113 : i32 to index
        %swap3A_181 = arith.constant 96 : index
        %swap3A_182 = tpu.vector_load %arg10[%swap3A_180, %swap3A_181] {strides = array<i32>} : memref<80x128xf32, #tpu.memory_space<vmem>>, vector<16xf32>,
        tpu.vector_store %arg10[%swap3A_180, %swap3A_181], %mul3A_179 {strides = array<i32>} : memref<80x128xf32, #tpu.memory_space<vmem>>, vector<16xf32>,
        %get3A_183 = arith.index_cast %scan3A_113 : i32 to index
        %get3A_184 = arith.constant 112 : index
        %get3A_185 = tpu.vector_load %arg10[%get3A_183, %get3A_184] {strides = array<i32>} : memref<80x128xf32, #tpu.memory_space<vmem>>, vector<16xf32>,
        %get3A_186 = arith.index_cast %scan3A_113 : i32 to index
        %get3A_187 = arith.constant 112 : index
        %get3A_188 = tpu.vector_load %arg11[%get3A_186, %get3A_187] {strides = array<i32>} : memref<80x128xf32, #tpu.memory_space<vmem>>, vector<16xf32>,
        %mul3A_189 = arith.mulf %get3A_185, %get3A_188 : vector<16xf32>
        %swap3A_190 = arith.index_cast %scan3A_113 : i32 to index
        %swap3A_191 = arith.constant 112 : index
        %swap3A_192 = tpu.vector_load %arg10[%swap3A_190, %swap3A_191] {strides = array<i32>} : memref<80x128xf32, #tpu.memory_space<vmem>>, vector<16xf32>,
        tpu.vector_store %arg10[%swap3A_190, %swap3A_191], %mul3A_189 {strides = array<i32>} : memref<80x128xf32, #tpu.memory_space<vmem>>, vector<16xf32>,
        %scan3A_193 = arith.constant 0 : i32
        scf.yield %scan3A_193 : i32
      }
      %scan3A_93 = arith.constant 80 : i32
      %dma_wait3A_94 = tpu.memref_slice %arg5[%add3A_54] : memref<320000xi32, #tpu.memory_space<hbm>> -> memref<80xi32, #tpu.memory_space<hbm>>
      %dma_wait3A_95 = tpu.memref_slice %arg5[%add3A_54] : memref<320000xi32, #tpu.memory_space<hbm>> -> memref<80xi32, #tpu.memory_space<hbm>>
      tpu.wait_dma2 semaphore(%arg22 : memref<!tpu.dma_semaphore, #tpu.memory_space<semaphore_mem>>) src(%dma_wait3A_95 : memref<80xi32, #tpu.memory_space<hbm>>) dst(%arg9 : memref<80xi32, #tpu.memory_space<vmem>>)
      "tpu.region"() ({
        %run_scoped3A = tpu.sem_alloc : memref<!tpu.dma_semaphore, #tpu.memory_space<semaphore_mem>>
        %dma_start3A_113 = arith.constant 0 : i32
        %dma_start3A_114 = arith.constant 0 : i32
        %dma_start3A_115 = tpu.memref_slice %arg16[%dma_start3A_113, %dma_start3A_114] : memref<10000x128xf32, #tpu.memory_space<vmem_shared>> -> memref<10000x128xf32, #tpu.memory_space<vmem_shared>>
        tpu.enqueue_indirect_dma source(%arg10 : memref<80x128xf32, #tpu.memory_space<vmem>>) target(%dma_start3A_115 : memref<10000x128xf32, #tpu.memory_space<vmem_shared>>) offsets(%arg9 : memref<80xi32, #tpu.memory_space<vmem>>) semaphore(%run_scoped3A : memref<!tpu.dma_semaphore, #tpu.memory_space<semaphore_mem>>) {add = true}
        %dma_wait3A_116 = arith.constant 0 : i32
        %dma_wait3A_117 = arith.constant 0 : i32
        %dma_wait3A_118 = tpu.memref_slice %arg16[%dma_wait3A_116, %dma_wait3A_117] : memref<10000x128xf32, #tpu.memory_space<vmem_shared>> -> memref<10000x128xf32, #tpu.memory_space<vmem_shared>>
        tpu.wait_indirect_dma semaphore(%run_scoped3A : memref<!tpu.dma_semaphore, #tpu.memory_space<semaphore_mem>>) src(%arg10 : memref<80x128xf32, #tpu.memory_space<vmem>>) dst(%dma_wait3A_118 : memref<10000x128xf32, #tpu.memory_space<vmem_shared>>)
        tpu.yield
      }) : () -> ()
      %dma_wait3A_96 = arith.constant 0 : i32
      %dma_wait3A_97 = arith.constant 0 : i32
      %dma_wait3A_98 = tpu.memref_slice %arg2[%dma_wait3A_96, %dma_wait3A_97] : memref<10000x128xf32, #tpu.memory_space<hbm>> -> memref<10000x128xf32, #tpu.memory_space<hbm>>
      tpu.wait_indirect_dma semaphore(%arg19 : memref<!tpu.dma_semaphore, #tpu.memory_space<semaphore_mem>>) src(%dma_wait3A_98 : memref<10000x128xf32, #tpu.memory_space<hbm>>) dst(%arg14 : memref<80x128xf32, #tpu.memory_space<vmem>>)
      %dma_wait3A_99 = arith.constant 0 : i32
      %dma_wait3A_100 = tpu.memref_slice %arg3[%add3A_70, %dma_wait3A_99] : memref<320000x128xf32, #tpu.memory_space<hbm>> -> memref<80x128xf32, #tpu.memory_space<hbm>>
      %dma_wait3A_101 = arith.constant 0 : i32
      %dma_wait3A_102 = tpu.memref_slice %arg3[%add3A_70, %dma_wait3A_101] : memref<320000x128xf32, #tpu.memory_space<hbm>> -> memref<80x128xf32, #tpu.memory_space<hbm>>
      tpu.wait_dma2 semaphore(%arg20 : memref<!tpu.dma_semaphore, #tpu.memory_space<semaphore_mem>>) src(%dma_wait3A_102 : memref<80x128xf32, #tpu.memory_space<hbm>>) dst(%arg15 : memref<80x128xf32, #tpu.memory_space<vmem>>)
      %scan3A_103 = arith.constant 0 : i32
      %scan3A_104 = arith.constant 0 : i32
      %scan3A_105 = arith.constant 80 : i32
      %scan3A_106 = arith.addi %scan3A_104, %scan3A_105 : i32
      %scan3A_107 = arith.constant 1 : i32
      %scan3A_108 = scf.for %scan3A_113 = %scan3A_104 to %scan3A_106 step %scan3A_107 iter_args(%scan3A_114 = %scan3A_103) -> (i32)  : i32 {
        %get3A = arith.index_cast %scan3A_113 : i32 to index
        %get3A_115 = arith.constant 0 : index
        %get3A_116 = tpu.vector_load %arg14[%get3A, %get3A_115] {strides = array<i32>} : memref<80x128xf32, #tpu.memory_space<vmem>>, vector<16xf32>,
        %get3A_117 = arith.index_cast %scan3A_113 : i32 to index
        %get3A_118 = arith.constant 0 : index
        %get3A_119 = tpu.vector_load %arg15[%get3A_117, %get3A_118] {strides = array<i32>} : memref<80x128xf32, #tpu.memory_space<vmem>>, vector<16xf32>,
        %mul3A_120 = arith.mulf %get3A_116, %get3A_119 : vector<16xf32>
        %swap3A = arith.index_cast %scan3A_113 : i32 to index
        %swap3A_121 = arith.constant 0 : index
        %swap3A_122 = tpu.vector_load %arg14[%swap3A, %swap3A_121] {strides = array<i32>} : memref<80x128xf32, #tpu.memory_space<vmem>>, vector<16xf32>,
        tpu.vector_store %arg14[%swap3A, %swap3A_121], %mul3A_120 {strides = array<i32>} : memref<80x128xf32, #tpu.memory_space<vmem>>, vector<16xf32>,
        %get3A_123 = arith.index_cast %scan3A_113 : i32 to index
        %get3A_124 = arith.constant 16 : index
        %get3A_125 = tpu.vector_load %arg14[%get3A_123, %get3A_124] {strides = array<i32>} : memref<80x128xf32, #tpu.memory_space<vmem>>, vector<16xf32>,
        %get3A_126 = arith.index_cast %scan3A_113 : i32 to index
        %get3A_127 = arith.constant 16 : index
        %get3A_128 = tpu.vector_load %arg15[%get3A_126, %get3A_127] {strides = array<i32>} : memref<80x128xf32, #tpu.memory_space<vmem>>, vector<16xf32>,
        %mul3A_129 = arith.mulf %get3A_125, %get3A_128 : vector<16xf32>
        %swap3A_130 = arith.index_cast %scan3A_113 : i32 to index
        %swap3A_131 = arith.constant 16 : index
        %swap3A_132 = tpu.vector_load %arg14[%swap3A_130, %swap3A_131] {strides = array<i32>} : memref<80x128xf32, #tpu.memory_space<vmem>>, vector<16xf32>,
        tpu.vector_store %arg14[%swap3A_130, %swap3A_131], %mul3A_129 {strides = array<i32>} : memref<80x128xf32, #tpu.memory_space<vmem>>, vector<16xf32>,
        %get3A_133 = arith.index_cast %scan3A_113 : i32 to index
        %get3A_134 = arith.constant 32 : index
        %get3A_135 = tpu.vector_load %arg14[%get3A_133, %get3A_134] {strides = array<i32>} : memref<80x128xf32, #tpu.memory_space<vmem>>, vector<16xf32>,
        %get3A_136 = arith.index_cast %scan3A_113 : i32 to index
        %get3A_137 = arith.constant 32 : index
        %get3A_138 = tpu.vector_load %arg15[%get3A_136, %get3A_137] {strides = array<i32>} : memref<80x128xf32, #tpu.memory_space<vmem>>, vector<16xf32>,
        %mul3A_139 = arith.mulf %get3A_135, %get3A_138 : vector<16xf32>
        %swap3A_140 = arith.index_cast %scan3A_113 : i32 to index
        %swap3A_141 = arith.constant 32 : index
        %swap3A_142 = tpu.vector_load %arg14[%swap3A_140, %swap3A_141] {strides = array<i32>} : memref<80x128xf32, #tpu.memory_space<vmem>>, vector<16xf32>,
        tpu.vector_store %arg14[%swap3A_140, %swap3A_141], %mul3A_139 {strides = array<i32>} : memref<80x128xf32, #tpu.memory_space<vmem>>, vector<16xf32>,
        %get3A_143 = arith.index_cast %scan3A_113 : i32 to index
        %get3A_144 = arith.constant 48 : index
        %get3A_145 = tpu.vector_load %arg14[%get3A_143, %get3A_144] {strides = array<i32>} : memref<80x128xf32, #tpu.memory_space<vmem>>, vector<16xf32>,
        %get3A_146 = arith.index_cast %scan3A_113 : i32 to index
        %get3A_147 = arith.constant 48 : index
        %get3A_148 = tpu.vector_load %arg15[%get3A_146, %get3A_147] {strides = array<i32>} : memref<80x128xf32, #tpu.memory_space<vmem>>, vector<16xf32>,
        %mul3A_149 = arith.mulf %get3A_145, %get3A_148 : vector<16xf32>
        %swap3A_150 = arith.index_cast %scan3A_113 : i32 to index
        %swap3A_151 = arith.constant 48 : index
        %swap3A_152 = tpu.vector_load %arg14[%swap3A_150, %swap3A_151] {strides = array<i32>} : memref<80x128xf32, #tpu.memory_space<vmem>>, vector<16xf32>,
        tpu.vector_store %arg14[%swap3A_150, %swap3A_151], %mul3A_149 {strides = array<i32>} : memref<80x128xf32, #tpu.memory_space<vmem>>, vector<16xf32>,
        %get3A_153 = arith.index_cast %scan3A_113 : i32 to index
        %get3A_154 = arith.constant 64 : index
        %get3A_155 = tpu.vector_load %arg14[%get3A_153, %get3A_154] {strides = array<i32>} : memref<80x128xf32, #tpu.memory_space<vmem>>, vector<16xf32>,
        %get3A_156 = arith.index_cast %scan3A_113 : i32 to index
        %get3A_157 = arith.constant 64 : index
        %get3A_158 = tpu.vector_load %arg15[%get3A_156, %get3A_157] {strides = array<i32>} : memref<80x128xf32, #tpu.memory_space<vmem>>, vector<16xf32>,
        %mul3A_159 = arith.mulf %get3A_155, %get3A_158 : vector<16xf32>
        %swap3A_160 = arith.index_cast %scan3A_113 : i32 to index
        %swap3A_161 = arith.constant 64 : index
        %swap3A_162 = tpu.vector_load %arg14[%swap3A_160, %swap3A_161] {strides = array<i32>} : memref<80x128xf32, #tpu.memory_space<vmem>>, vector<16xf32>,
        tpu.vector_store %arg14[%swap3A_160, %swap3A_161], %mul3A_159 {strides = array<i32>} : memref<80x128xf32, #tpu.memory_space<vmem>>, vector<16xf32>,
        %get3A_163 = arith.index_cast %scan3A_113 : i32 to index
        %get3A_164 = arith.constant 80 : index
        %get3A_165 = tpu.vector_load %arg14[%get3A_163, %get3A_164] {strides = array<i32>} : memref<80x128xf32, #tpu.memory_space<vmem>>, vector<16xf32>,
        %get3A_166 = arith.index_cast %scan3A_113 : i32 to index
        %get3A_167 = arith.constant 80 : index
        %get3A_168 = tpu.vector_load %arg15[%get3A_166, %get3A_167] {strides = array<i32>} : memref<80x128xf32, #tpu.memory_space<vmem>>, vector<16xf32>,
        %mul3A_169 = arith.mulf %get3A_165, %get3A_168 : vector<16xf32>
        %swap3A_170 = arith.index_cast %scan3A_113 : i32 to index
        %swap3A_171 = arith.constant 80 : index
        %swap3A_172 = tpu.vector_load %arg14[%swap3A_170, %swap3A_171] {strides = array<i32>} : memref<80x128xf32, #tpu.memory_space<vmem>>, vector<16xf32>,
        tpu.vector_store %arg14[%swap3A_170, %swap3A_171], %mul3A_169 {strides = array<i32>} : memref<80x128xf32, #tpu.memory_space<vmem>>, vector<16xf32>,
        %get3A_173 = arith.index_cast %scan3A_113 : i32 to index
        %get3A_174 = arith.constant 96 : index
        %get3A_175 = tpu.vector_load %arg14[%get3A_173, %get3A_174] {strides = array<i32>} : memref<80x128xf32, #tpu.memory_space<vmem>>, vector<16xf32>,
        %get3A_176 = arith.index_cast %scan3A_113 : i32 to index
        %get3A_177 = arith.constant 96 : index
        %get3A_178 = tpu.vector_load %arg15[%get3A_176, %get3A_177] {strides = array<i32>} : memref<80x128xf32, #tpu.memory_space<vmem>>, vector<16xf32>,
        %mul3A_179 = arith.mulf %get3A_175, %get3A_178 : vector<16xf32>
        %swap3A_180 = arith.index_cast %scan3A_113 : i32 to index
        %swap3A_181 = arith.constant 96 : index
        %swap3A_182 = tpu.vector_load %arg14[%swap3A_180, %swap3A_181] {strides = array<i32>} : memref<80x128xf32, #tpu.memory_space<vmem>>, vector<16xf32>,
        tpu.vector_store %arg14[%swap3A_180, %swap3A_181], %mul3A_179 {strides = array<i32>} : memref<80x128xf32, #tpu.memory_space<vmem>>, vector<16xf32>,
        %get3A_183 = arith.index_cast %scan3A_113 : i32 to index
        %get3A_184 = arith.constant 112 : index
        %get3A_185 = tpu.vector_load %arg14[%get3A_183, %get3A_184] {strides = array<i32>} : memref<80x128xf32, #tpu.memory_space<vmem>>, vector<16xf32>,
        %get3A_186 = arith.index_cast %scan3A_113 : i32 to index
        %get3A_187 = arith.constant 112 : index
        %get3A_188 = tpu.vector_load %arg15[%get3A_186, %get3A_187] {strides = array<i32>} : memref<80x128xf32, #tpu.memory_space<vmem>>, vector<16xf32>,
        %mul3A_189 = arith.mulf %get3A_185, %get3A_188 : vector<16xf32>
        %swap3A_190 = arith.index_cast %scan3A_113 : i32 to index
        %swap3A_191 = arith.constant 112 : index
        %swap3A_192 = tpu.vector_load %arg14[%swap3A_190, %swap3A_191] {strides = array<i32>} : memref<80x128xf32, #tpu.memory_space<vmem>>, vector<16xf32>,
        tpu.vector_store %arg14[%swap3A_190, %swap3A_191], %mul3A_189 {strides = array<i32>} : memref<80x128xf32, #tpu.memory_space<vmem>>, vector<16xf32>,
        %scan3A_193 = arith.constant 0 : i32
        scf.yield %scan3A_193 : i32
      }
      %scan3A_109 = arith.constant 80 : i32
      %dma_wait3A_110 = tpu.memref_slice %arg5[%add3A_70] : memref<320000xi32, #tpu.memory_space<hbm>> -> memref<80xi32, #tpu.memory_space<hbm>>
      %dma_wait3A_111 = tpu.memref_slice %arg5[%add3A_70] : memref<320000xi32, #tpu.memory_space<hbm>> -> memref<80xi32, #tpu.memory_space<hbm>>
      tpu.wait_dma2 semaphore(%arg24 : memref<!tpu.dma_semaphore, #tpu.memory_space<semaphore_mem>>) src(%dma_wait3A_111 : memref<80xi32, #tpu.memory_space<hbm>>) dst(%arg13 : memref<80xi32, #tpu.memory_space<vmem>>)
      "tpu.region"() ({
        %run_scoped3A = tpu.sem_alloc : memref<!tpu.dma_semaphore, #tpu.memory_space<semaphore_mem>>
        %dma_start3A_113 = arith.constant 0 : i32
        %dma_start3A_114 = arith.constant 0 : i32
        %dma_start3A_115 = tpu.memref_slice %arg16[%dma_start3A_113, %dma_start3A_114] : memref<10000x128xf32, #tpu.memory_space<vmem_shared>> -> memref<10000x128xf32, #tpu.memory_space<vmem_shared>>
        tpu.enqueue_indirect_dma source(%arg14 : memref<80x128xf32, #tpu.memory_space<vmem>>) target(%dma_start3A_115 : memref<10000x128xf32, #tpu.memory_space<vmem_shared>>) offsets(%arg13 : memref<80xi32, #tpu.memory_space<vmem>>) semaphore(%run_scoped3A : memref<!tpu.dma_semaphore, #tpu.memory_space<semaphore_mem>>) {add = true}
        %dma_wait3A_116 = arith.constant 0 : i32
        %dma_wait3A_117 = arith.constant 0 : i32
        %dma_wait3A_118 = tpu.memref_slice %arg16[%dma_wait3A_116, %dma_wait3A_117] : memref<10000x128xf32, #tpu.memory_space<vmem_shared>> -> memref<10000x128xf32, #tpu.memory_space<vmem_shared>>
        tpu.wait_indirect_dma semaphore(%run_scoped3A : memref<!tpu.dma_semaphore, #tpu.memory_space<semaphore_mem>>) src(%arg14 : memref<80x128xf32, #tpu.memory_space<vmem>>) dst(%dma_wait3A_118 : memref<10000x128xf32, #tpu.memory_space<vmem_shared>>)
        tpu.yield
      }) : () -> ()
      %scan3A_112 = arith.constant 0 : i32
      scf.yield %scan3A_112 : i32
    }
    %scan3A_12 = arith.constant 62 : i32
    %add3A_13 = arith.constant 9920 : i32
    %add3A_14 = arith.addi %add3A, %add3A_13 : i32
    "tpu.region"() ({
      %run_scoped3A = tpu.sem_alloc : memref<!tpu.dma_semaphore, #tpu.memory_space<semaphore_mem>>
      %dma_start3A_48 = tpu.memref_slice %arg4[%add3A_14] : memref<320000xi32, #tpu.memory_space<hbm>> -> memref<80xi32, #tpu.memory_space<hbm>>
      %dma_start3A_49 = tpu.memref_slice %arg4[%add3A_14] : memref<320000xi32, #tpu.memory_space<hbm>> -> memref<80xi32, #tpu.memory_space<hbm>>
      tpu.enqueue_dma source(%dma_start3A_49 : memref<80xi32, #tpu.memory_space<hbm>>) target(%arg8 : memref<80xi32, #tpu.memory_space<vmem>>) target_semaphore(%run_scoped3A : memref<!tpu.dma_semaphore, #tpu.memory_space<semaphore_mem>>)
      %dma_wait3A_50 = tpu.memref_slice %arg4[%add3A_14] : memref<320000xi32, #tpu.memory_space<hbm>> -> memref<80xi32, #tpu.memory_space<hbm>>
      %dma_wait3A_51 = tpu.memref_slice %arg4[%add3A_14] : memref<320000xi32, #tpu.memory_space<hbm>> -> memref<80xi32, #tpu.memory_space<hbm>>
      tpu.wait_dma2 semaphore(%run_scoped3A : memref<!tpu.dma_semaphore, #tpu.memory_space<semaphore_mem>>) src(%dma_wait3A_51 : memref<80xi32, #tpu.memory_space<hbm>>) dst(%arg8 : memref<80xi32, #tpu.memory_space<vmem>>)
      tpu.yield
    }) : () -> ()
    %dma_start3A = tpu.memref_slice %arg5[%add3A_14] : memref<320000xi32, #tpu.memory_space<hbm>> -> memref<80xi32, #tpu.memory_space<hbm>>
    %dma_start3A_15 = tpu.memref_slice %arg5[%add3A_14] : memref<320000xi32, #tpu.memory_space<hbm>> -> memref<80xi32, #tpu.memory_space<hbm>>
    tpu.enqueue_dma source(%dma_start3A_15 : memref<80xi32, #tpu.memory_space<hbm>>) target(%arg9 : memref<80xi32, #tpu.memory_space<vmem>>) target_semaphore(%arg22 : memref<!tpu.dma_semaphore, #tpu.memory_space<semaphore_mem>>)
    %dma_start3A_16 = arith.constant 0 : i32
    %dma_start3A_17 = arith.constant 0 : i32
    %dma_start3A_18 = tpu.memref_slice %arg2[%dma_start3A_16, %dma_start3A_17] : memref<10000x128xf32, #tpu.memory_space<hbm>> -> memref<10000x128xf32, #tpu.memory_space<hbm>>
    tpu.enqueue_indirect_dma source(%dma_start3A_18 : memref<10000x128xf32, #tpu.memory_space<hbm>>) target(%arg10 : memref<80x128xf32, #tpu.memory_space<vmem>>) offsets(%arg8 : memref<80xi32, #tpu.memory_space<vmem>>) semaphore(%arg17 : memref<!tpu.dma_semaphore, #tpu.memory_space<semaphore_mem>>)
    %dma_start3A_19 = arith.constant 0 : i32
    %dma_start3A_20 = tpu.memref_slice %arg3[%add3A_14, %dma_start3A_19] : memref<320000x128xf32, #tpu.memory_space<hbm>> -> memref<80x128xf32, #tpu.memory_space<hbm>>
    %dma_start3A_21 = arith.constant 0 : i32
    %dma_start3A_22 = tpu.memref_slice %arg3[%add3A_14, %dma_start3A_21] : memref<320000x128xf32, #tpu.memory_space<hbm>> -> memref<80x128xf32, #tpu.memory_space<hbm>>
    tpu.enqueue_dma source(%dma_start3A_22 : memref<80x128xf32, #tpu.memory_space<hbm>>) target(%arg11 : memref<80x128xf32, #tpu.memory_space<vmem>>) target_semaphore(%arg18 : memref<!tpu.dma_semaphore, #tpu.memory_space<semaphore_mem>>)
    %dma_wait3A = arith.constant 0 : i32
    %dma_wait3A_23 = arith.constant 0 : i32
    %dma_wait3A_24 = tpu.memref_slice %arg2[%dma_wait3A, %dma_wait3A_23] : memref<10000x128xf32, #tpu.memory_space<hbm>> -> memref<10000x128xf32, #tpu.memory_space<hbm>>
    tpu.wait_indirect_dma semaphore(%arg17 : memref<!tpu.dma_semaphore, #tpu.memory_space<semaphore_mem>>) src(%dma_wait3A_24 : memref<10000x128xf32, #tpu.memory_space<hbm>>) dst(%arg10 : memref<80x128xf32, #tpu.memory_space<vmem>>)
    %dma_wait3A_25 = arith.constant 0 : i32
    %dma_wait3A_26 = tpu.memref_slice %arg3[%add3A_14, %dma_wait3A_25] : memref<320000x128xf32, #tpu.memory_space<hbm>> -> memref<80x128xf32, #tpu.memory_space<hbm>>
    %dma_wait3A_27 = arith.constant 0 : i32
    %dma_wait3A_28 = tpu.memref_slice %arg3[%add3A_14, %dma_wait3A_27] : memref<320000x128xf32, #tpu.memory_space<hbm>> -> memref<80x128xf32, #tpu.memory_space<hbm>>
    tpu.wait_dma2 semaphore(%arg18 : memref<!tpu.dma_semaphore, #tpu.memory_space<semaphore_mem>>) src(%dma_wait3A_28 : memref<80x128xf32, #tpu.memory_space<hbm>>) dst(%arg11 : memref<80x128xf32, #tpu.memory_space<vmem>>)
    %scan3A_29 = arith.constant 0 : i32
    %scan3A_30 = arith.constant 0 : i32
    %scan3A_31 = arith.constant 80 : i32
    %scan3A_32 = arith.addi %scan3A_30, %scan3A_31 : i32
    %scan3A_33 = arith.constant 1 : i32
    %scan3A_34 = scf.for %scan3A_48 = %scan3A_30 to %scan3A_32 step %scan3A_33 iter_args(%scan3A_49 = %scan3A_29) -> (i32)  : i32 {
      %get3A = arith.index_cast %scan3A_48 : i32 to index
      %get3A_50 = arith.constant 0 : index
      %get3A_51 = tpu.vector_load %arg10[%get3A, %get3A_50] {strides = array<i32>} : memref<80x128xf32, #tpu.memory_space<vmem>>, vector<16xf32>,
      %get3A_52 = arith.index_cast %scan3A_48 : i32 to index
      %get3A_53 = arith.constant 0 : index
      %get3A_54 = tpu.vector_load %arg11[%get3A_52, %get3A_53] {strides = array<i32>} : memref<80x128xf32, #tpu.memory_space<vmem>>, vector<16xf32>,
      %mul3A_55 = arith.mulf %get3A_51, %get3A_54 : vector<16xf32>
      %swap3A = arith.index_cast %scan3A_48 : i32 to index
      %swap3A_56 = arith.constant 0 : index
      %swap3A_57 = tpu.vector_load %arg10[%swap3A, %swap3A_56] {strides = array<i32>} : memref<80x128xf32, #tpu.memory_space<vmem>>, vector<16xf32>,
      tpu.vector_store %arg10[%swap3A, %swap3A_56], %mul3A_55 {strides = array<i32>} : memref<80x128xf32, #tpu.memory_space<vmem>>, vector<16xf32>,
      %get3A_58 = arith.index_cast %scan3A_48 : i32 to index
      %get3A_59 = arith.constant 16 : index
      %get3A_60 = tpu.vector_load %arg10[%get3A_58, %get3A_59] {strides = array<i32>} : memref<80x128xf32, #tpu.memory_space<vmem>>, vector<16xf32>,
      %get3A_61 = arith.index_cast %scan3A_48 : i32 to index
      %get3A_62 = arith.constant 16 : index
      %get3A_63 = tpu.vector_load %arg11[%get3A_61, %get3A_62] {strides = array<i32>} : memref<80x128xf32, #tpu.memory_space<vmem>>, vector<16xf32>,
      %mul3A_64 = arith.mulf %get3A_60, %get3A_63 : vector<16xf32>
      %swap3A_65 = arith.index_cast %scan3A_48 : i32 to index
      %swap3A_66 = arith.constant 16 : index
      %swap3A_67 = tpu.vector_load %arg10[%swap3A_65, %swap3A_66] {strides = array<i32>} : memref<80x128xf32, #tpu.memory_space<vmem>>, vector<16xf32>,
      tpu.vector_store %arg10[%swap3A_65, %swap3A_66], %mul3A_64 {strides = array<i32>} : memref<80x128xf32, #tpu.memory_space<vmem>>, vector<16xf32>,
      %get3A_68 = arith.index_cast %scan3A_48 : i32 to index
      %get3A_69 = arith.constant 32 : index
      %get3A_70 = tpu.vector_load %arg10[%get3A_68, %get3A_69] {strides = array<i32>} : memref<80x128xf32, #tpu.memory_space<vmem>>, vector<16xf32>,
      %get3A_71 = arith.index_cast %scan3A_48 : i32 to index
      %get3A_72 = arith.constant 32 : index
      %get3A_73 = tpu.vector_load %arg11[%get3A_71, %get3A_72] {strides = array<i32>} : memref<80x128xf32, #tpu.memory_space<vmem>>, vector<16xf32>,
      %mul3A_74 = arith.mulf %get3A_70, %get3A_73 : vector<16xf32>
      %swap3A_75 = arith.index_cast %scan3A_48 : i32 to index
      %swap3A_76 = arith.constant 32 : index
      %swap3A_77 = tpu.vector_load %arg10[%swap3A_75, %swap3A_76] {strides = array<i32>} : memref<80x128xf32, #tpu.memory_space<vmem>>, vector<16xf32>,
      tpu.vector_store %arg10[%swap3A_75, %swap3A_76], %mul3A_74 {strides = array<i32>} : memref<80x128xf32, #tpu.memory_space<vmem>>, vector<16xf32>,
      %get3A_78 = arith.index_cast %scan3A_48 : i32 to index
      %get3A_79 = arith.constant 48 : index
      %get3A_80 = tpu.vector_load %arg10[%get3A_78, %get3A_79] {strides = array<i32>} : memref<80x128xf32, #tpu.memory_space<vmem>>, vector<16xf32>,
      %get3A_81 = arith.index_cast %scan3A_48 : i32 to index
      %get3A_82 = arith.constant 48 : index
      %get3A_83 = tpu.vector_load %arg11[%get3A_81, %get3A_82] {strides = array<i32>} : memref<80x128xf32, #tpu.memory_space<vmem>>, vector<16xf32>,
      %mul3A_84 = arith.mulf %get3A_80, %get3A_83 : vector<16xf32>
      %swap3A_85 = arith.index_cast %scan3A_48 : i32 to index
      %swap3A_86 = arith.constant 48 : index
      %swap3A_87 = tpu.vector_load %arg10[%swap3A_85, %swap3A_86] {strides = array<i32>} : memref<80x128xf32, #tpu.memory_space<vmem>>, vector<16xf32>,
      tpu.vector_store %arg10[%swap3A_85, %swap3A_86], %mul3A_84 {strides = array<i32>} : memref<80x128xf32, #tpu.memory_space<vmem>>, vector<16xf32>,
      %get3A_88 = arith.index_cast %scan3A_48 : i32 to index
      %get3A_89 = arith.constant 64 : index
      %get3A_90 = tpu.vector_load %arg10[%get3A_88, %get3A_89] {strides = array<i32>} : memref<80x128xf32, #tpu.memory_space<vmem>>, vector<16xf32>,
      %get3A_91 = arith.index_cast %scan3A_48 : i32 to index
      %get3A_92 = arith.constant 64 : index
      %get3A_93 = tpu.vector_load %arg11[%get3A_91, %get3A_92] {strides = array<i32>} : memref<80x128xf32, #tpu.memory_space<vmem>>, vector<16xf32>,
      %mul3A_94 = arith.mulf %get3A_90, %get3A_93 : vector<16xf32>
      %swap3A_95 = arith.index_cast %scan3A_48 : i32 to index
      %swap3A_96 = arith.constant 64 : index
      %swap3A_97 = tpu.vector_load %arg10[%swap3A_95, %swap3A_96] {strides = array<i32>} : memref<80x128xf32, #tpu.memory_space<vmem>>, vector<16xf32>,
      tpu.vector_store %arg10[%swap3A_95, %swap3A_96], %mul3A_94 {strides = array<i32>} : memref<80x128xf32, #tpu.memory_space<vmem>>, vector<16xf32>,
      %get3A_98 = arith.index_cast %scan3A_48 : i32 to index
      %get3A_99 = arith.constant 80 : index
      %get3A_100 = tpu.vector_load %arg10[%get3A_98, %get3A_99] {strides = array<i32>} : memref<80x128xf32, #tpu.memory_space<vmem>>, vector<16xf32>,
      %get3A_101 = arith.index_cast %scan3A_48 : i32 to index
      %get3A_102 = arith.constant 80 : index
      %get3A_103 = tpu.vector_load %arg11[%get3A_101, %get3A_102] {strides = array<i32>} : memref<80x128xf32, #tpu.memory_space<vmem>>, vector<16xf32>,
      %mul3A_104 = arith.mulf %get3A_100, %get3A_103 : vector<16xf32>
      %swap3A_105 = arith.index_cast %scan3A_48 : i32 to index
      %swap3A_106 = arith.constant 80 : index
      %swap3A_107 = tpu.vector_load %arg10[%swap3A_105, %swap3A_106] {strides = array<i32>} : memref<80x128xf32, #tpu.memory_space<vmem>>, vector<16xf32>,
      tpu.vector_store %arg10[%swap3A_105, %swap3A_106], %mul3A_104 {strides = array<i32>} : memref<80x128xf32, #tpu.memory_space<vmem>>, vector<16xf32>,
      %get3A_108 = arith.index_cast %scan3A_48 : i32 to index
      %get3A_109 = arith.constant 96 : index
      %get3A_110 = tpu.vector_load %arg10[%get3A_108, %get3A_109] {strides = array<i32>} : memref<80x128xf32, #tpu.memory_space<vmem>>, vector<16xf32>,
      %get3A_111 = arith.index_cast %scan3A_48 : i32 to index
      %get3A_112 = arith.constant 96 : index
      %get3A_113 = tpu.vector_load %arg11[%get3A_111, %get3A_112] {strides = array<i32>} : memref<80x128xf32, #tpu.memory_space<vmem>>, vector<16xf32>,
      %mul3A_114 = arith.mulf %get3A_110, %get3A_113 : vector<16xf32>
      %swap3A_115 = arith.index_cast %scan3A_48 : i32 to index
      %swap3A_116 = arith.constant 96 : index
      %swap3A_117 = tpu.vector_load %arg10[%swap3A_115, %swap3A_116] {strides = array<i32>} : memref<80x128xf32, #tpu.memory_space<vmem>>, vector<16xf32>,
      tpu.vector_store %arg10[%swap3A_115, %swap3A_116], %mul3A_114 {strides = array<i32>} : memref<80x128xf32, #tpu.memory_space<vmem>>, vector<16xf32>,
      %get3A_118 = arith.index_cast %scan3A_48 : i32 to index
      %get3A_119 = arith.constant 112 : index
      %get3A_120 = tpu.vector_load %arg10[%get3A_118, %get3A_119] {strides = array<i32>} : memref<80x128xf32, #tpu.memory_space<vmem>>, vector<16xf32>,
      %get3A_121 = arith.index_cast %scan3A_48 : i32 to index
      %get3A_122 = arith.constant 112 : index
      %get3A_123 = tpu.vector_load %arg11[%get3A_121, %get3A_122] {strides = array<i32>} : memref<80x128xf32, #tpu.memory_space<vmem>>, vector<16xf32>,
      %mul3A_124 = arith.mulf %get3A_120, %get3A_123 : vector<16xf32>
      %swap3A_125 = arith.index_cast %scan3A_48 : i32 to index
      %swap3A_126 = arith.constant 112 : index
      %swap3A_127 = tpu.vector_load %arg10[%swap3A_125, %swap3A_126] {strides = array<i32>} : memref<80x128xf32, #tpu.memory_space<vmem>>, vector<16xf32>,
      tpu.vector_store %arg10[%swap3A_125, %swap3A_126], %mul3A_124 {strides = array<i32>} : memref<80x128xf32, #tpu.memory_space<vmem>>, vector<16xf32>,
      %scan3A_128 = arith.constant 0 : i32
      scf.yield %scan3A_128 : i32
    }
    %scan3A_35 = arith.constant 80 : i32
    %dma_wait3A_36 = tpu.memref_slice %arg5[%add3A_14] : memref<320000xi32, #tpu.memory_space<hbm>> -> memref<80xi32, #tpu.memory_space<hbm>>
    %dma_wait3A_37 = tpu.memref_slice %arg5[%add3A_14] : memref<320000xi32, #tpu.memory_space<hbm>> -> memref<80xi32, #tpu.memory_space<hbm>>
    tpu.wait_dma2 semaphore(%arg22 : memref<!tpu.dma_semaphore, #tpu.memory_space<semaphore_mem>>) src(%dma_wait3A_37 : memref<80xi32, #tpu.memory_space<hbm>>) dst(%arg9 : memref<80xi32, #tpu.memory_space<vmem>>)
    "tpu.region"() ({
      %run_scoped3A = tpu.sem_alloc : memref<!tpu.dma_semaphore, #tpu.memory_space<semaphore_mem>>
      %dma_start3A_48 = arith.constant 0 : i32
      %dma_start3A_49 = arith.constant 0 : i32
      %dma_start3A_50 = tpu.memref_slice %arg16[%dma_start3A_48, %dma_start3A_49] : memref<10000x128xf32, #tpu.memory_space<vmem_shared>> -> memref<10000x128xf32, #tpu.memory_space<vmem_shared>>
      tpu.enqueue_indirect_dma source(%arg10 : memref<80x128xf32, #tpu.memory_space<vmem>>) target(%dma_start3A_50 : memref<10000x128xf32, #tpu.memory_space<vmem_shared>>) offsets(%arg9 : memref<80xi32, #tpu.memory_space<vmem>>) semaphore(%run_scoped3A : memref<!tpu.dma_semaphore, #tpu.memory_space<semaphore_mem>>) {add = true}
      %dma_wait3A_51 = arith.constant 0 : i32
      %dma_wait3A_52 = arith.constant 0 : i32
      %dma_wait3A_53 = tpu.memref_slice %arg16[%dma_wait3A_51, %dma_wait3A_52] : memref<10000x128xf32, #tpu.memory_space<vmem_shared>> -> memref<10000x128xf32, #tpu.memory_space<vmem_shared>>
      tpu.wait_indirect_dma semaphore(%run_scoped3A : memref<!tpu.dma_semaphore, #tpu.memory_space<semaphore_mem>>) src(%arg10 : memref<80x128xf32, #tpu.memory_space<vmem>>) dst(%dma_wait3A_53 : memref<10000x128xf32, #tpu.memory_space<vmem_shared>>)
      tpu.yield
    }) : () -> ()
    %barrier3A_38 = arith.constant 0 : index
    tpu.barrier barrier_id(%barrier3A_38)
    %mul3A_39 = arith.constant 624 : i32
    %mul3A_40 = arith.muli %arg1, %mul3A_39 : i32
    %mul3A_41 = arith.constant 624 : i32
    %mul3A_42 = arith.muli %arg1, %mul3A_41 : i32
    "tpu.region"() ({
      %run_scoped3A = tpu.sem_alloc : memref<!tpu.dma_semaphore, #tpu.memory_space<semaphore_mem>>
      %dma_start3A_48 = arith.constant 0 : i32
      %dma_start3A_49 = tpu.memref_slice %arg7[%arg0, %mul3A_42, %dma_start3A_48] : memref<2x10000x128xf32, #tpu.memory_space<hbm>> -> memref<1x624x128xf32, #tpu.memory_space<hbm>>
      %dma_start3A_50 = tpu.memref_squeeze %dma_start3A_49 : memref<1x624x128xf32, #tpu.memory_space<hbm>> -> memref<624x128xf32, #tpu.memory_space<hbm>>
      %dma_start3A_51 = arith.constant 0 : i32
      %dma_start3A_52 = tpu.memref_slice %arg16[%mul3A_40, %dma_start3A_51] : memref<10000x128xf32, #tpu.memory_space<vmem_shared>> -> memref<624x128xf32, #tpu.memory_space<vmem_shared>>
      tpu.enqueue_dma source(%dma_start3A_52 : memref<624x128xf32, #tpu.memory_space<vmem_shared>>) target(%dma_start3A_50 : memref<624x128xf32, #tpu.memory_space<hbm>>) target_semaphore(%run_scoped3A : memref<!tpu.dma_semaphore, #tpu.memory_space<semaphore_mem>>)
      %dma_wait3A_53 = arith.constant 0 : i32
      %dma_wait3A_54 = tpu.memref_slice %arg7[%arg0, %mul3A_42, %dma_wait3A_53] : memref<2x10000x128xf32, #tpu.memory_space<hbm>> -> memref<1x624x128xf32, #tpu.memory_space<hbm>>
      %dma_wait3A_55 = tpu.memref_squeeze %dma_wait3A_54 : memref<1x624x128xf32, #tpu.memory_space<hbm>> -> memref<624x128xf32, #tpu.memory_space<hbm>>
      %dma_wait3A_56 = arith.constant 0 : i32
      %dma_wait3A_57 = tpu.memref_slice %arg16[%mul3A_40, %dma_wait3A_56] : memref<10000x128xf32, #tpu.memory_space<vmem_shared>> -> memref<624x128xf32, #tpu.memory_space<vmem_shared>>
      tpu.wait_dma2 semaphore(%run_scoped3A : memref<!tpu.dma_semaphore, #tpu.memory_space<semaphore_mem>>) src(%dma_wait3A_57 : memref<624x128xf32, #tpu.memory_space<vmem_shared>>) dst(%dma_wait3A_55 : memref<624x128xf32, #tpu.memory_space<hbm>>)
      tpu.yield
    }) : () -> ()
    %eq3A_43 = arith.constant 15 : i32
    %eq3A_44 = arith.cmpi eq, %arg1, %eq3A_43 : i32
    %convert_element_type3A_45 = arith.extui %eq3A_44 : i1 to i32
    %cond3A_46 = arith.constant 0 : i32
    %cond3A_47 = arith.cmpi ne, %convert_element_type3A_45, %cond3A_46 : i32
    scf.if %cond3A_47 {
      "tpu.region"() ({
        %run_scoped3A = tpu.sem_alloc : memref<!tpu.dma_semaphore, #tpu.memory_space<semaphore_mem>>
        %dma_start3A_48 = arith.constant 9984 : i32
        %dma_start3A_49 = arith.constant 0 : i32
        %dma_start3A_50 = tpu.memref_slice %arg7[%arg0, %dma_start3A_48, %dma_start3A_49] : memref<2x10000x128xf32, #tpu.memory_space<hbm>> -> memref<1x16x128xf32, #tpu.memory_space<hbm>>
        %dma_start3A_51 = tpu.memref_squeeze %dma_start3A_50 : memref<1x16x128xf32, #tpu.memory_space<hbm>> -> memref<16x128xf32, #tpu.memory_space<hbm>>
        %dma_start3A_52 = arith.constant 9984 : i32
        %dma_start3A_53 = arith.constant 0 : i32
        %dma_start3A_54 = tpu.memref_slice %arg16[%dma_start3A_52, %dma_start3A_53] : memref<10000x128xf32, #tpu.memory_space<vmem_shared>> -> memref<16x128xf32, #tpu.memory_space<vmem_shared>>
        tpu.enqueue_dma source(%dma_start3A_54 : memref<16x128xf32, #tpu.memory_space<vmem_shared>>) target(%dma_start3A_51 : memref<16x128xf32, #tpu.memory_space<hbm>>) target_semaphore(%run_scoped3A : memref<!tpu.dma_semaphore, #tpu.memory_space<semaphore_mem>>)
        %dma_wait3A_55 = arith.constant 9984 : i32
        %dma_wait3A_56 = arith.constant 0 : i32
        %dma_wait3A_57 = tpu.memref_slice %arg7[%arg0, %dma_wait3A_55, %dma_wait3A_56] : memref<2x10000x128xf32, #tpu.memory_space<hbm>> -> memref<1x16x128xf32, #tpu.memory_space<hbm>>
        %dma_wait3A_58 = tpu.memref_squeeze %dma_wait3A_57 : memref<1x16x128xf32, #tpu.memory_space<hbm>> -> memref<16x128xf32, #tpu.memory_space<hbm>>
        %dma_wait3A_59 = arith.constant 9984 : i32
        %dma_wait3A_60 = arith.constant 0 : i32
        %dma_wait3A_61 = tpu.memref_slice %arg16[%dma_wait3A_59, %dma_wait3A_60] : memref<10000x128xf32, #tpu.memory_space<vmem_shared>> -> memref<16x128xf32, #tpu.memory_space<vmem_shared>>
        tpu.wait_dma2 semaphore(%run_scoped3A : memref<!tpu.dma_semaphore, #tpu.memory_space<semaphore_mem>>) src(%dma_wait3A_61 : memref<16x128xf32, #tpu.memory_space<vmem_shared>>) dst(%dma_wait3A_58 : memref<16x128xf32, #tpu.memory_space<hbm>>)
        tpu.yield
      }) : () -> ()
    } else {
    }
    return
  }
}

#map = affine_map<(d0, d1) -> (0)>
module attributes {stable_mosaic.version = 14 : i64} {
  func.func @k(%arg0: i32, %arg1: i32, %arg2: memref<10000xf32, #tpu.memory_space<hbm>>, %arg3: memref<10000xf32, #tpu.memory_space<hbm>>, %arg4: memref<10000xf32, #tpu.memory_space<hbm>>, %arg5: memref<320000xi32, #tpu.memory_space<hbm>>, %arg6: memref<320000xi32, #tpu.memory_space<hbm>>, %arg7: memref<1280000xf32, #tpu.memory_space<hbm>>, %arg8: memref<10000xf32, #tpu.memory_space<vmem>>, %arg9: memref<10000xf32, #tpu.memory_space<vmem>>, %arg10: memref<10000xf32, #tpu.memory_space<vmem>>, %arg11: memref<10000xi32, #tpu.memory_space<vmem>>, %arg12: memref<10000xi32, #tpu.memory_space<vmem>>, %arg13: memref<320xf32, #tpu.memory_space<vmem>>) attributes {dimension_semantics = [#tpu.dimension_semantics<core_parallel>, #tpu.dimension_semantics<subcore_parallel>], iteration_bounds = array<i64: 2, 16>, scalar_prefetch = 0 : i64, scratch_operands = 6 : i64, tpu.core_type = #tpu.core_type<sc_vector_subcore>, window_params = [{transform_indices = #map}, {transform_indices = #map}, {transform_indices = #map}, {transform_indices = #map}, {transform_indices = #map}, {transform_indices = #map}]} {
    %mul3A = arith.constant 2 : i32
    %mul3A_0 = arith.muli %arg1, %mul3A : i32
    %add3A = arith.addi %mul3A_0, %arg0 : i32
    %mul3A_1 = arith.constant 10000 : i32
    %mul3A_2 = arith.muli %add3A, %mul3A_1 : i32
    "tpu.region"() ({
      %run_scoped3A = tpu.sem_alloc : memref<!tpu.dma_semaphore, #tpu.memory_space<semaphore_mem>>
      tpu.enqueue_dma source(%arg2 : memref<10000xf32, #tpu.memory_space<hbm>>) target(%arg8 : memref<10000xf32, #tpu.memory_space<vmem>>) target_semaphore(%run_scoped3A : memref<!tpu.dma_semaphore, #tpu.memory_space<semaphore_mem>>)
      tpu.wait_dma2 semaphore(%run_scoped3A : memref<!tpu.dma_semaphore, #tpu.memory_space<semaphore_mem>>) src(%arg2 : memref<10000xf32, #tpu.memory_space<hbm>>) dst(%arg8 : memref<10000xf32, #tpu.memory_space<vmem>>)
      tpu.yield
    }) : () -> ()
    "tpu.region"() ({
      %run_scoped3A = tpu.sem_alloc : memref<!tpu.dma_semaphore, #tpu.memory_space<semaphore_mem>>
      tpu.enqueue_dma source(%arg3 : memref<10000xf32, #tpu.memory_space<hbm>>) target(%arg9 : memref<10000xf32, #tpu.memory_space<vmem>>) target_semaphore(%run_scoped3A : memref<!tpu.dma_semaphore, #tpu.memory_space<semaphore_mem>>)
      tpu.wait_dma2 semaphore(%run_scoped3A : memref<!tpu.dma_semaphore, #tpu.memory_space<semaphore_mem>>) src(%arg3 : memref<10000xf32, #tpu.memory_space<hbm>>) dst(%arg9 : memref<10000xf32, #tpu.memory_space<vmem>>)
      tpu.yield
    }) : () -> ()
    "tpu.region"() ({
      %run_scoped3A = tpu.sem_alloc : memref<!tpu.dma_semaphore, #tpu.memory_space<semaphore_mem>>
      tpu.enqueue_dma source(%arg4 : memref<10000xf32, #tpu.memory_space<hbm>>) target(%arg10 : memref<10000xf32, #tpu.memory_space<vmem>>) target_semaphore(%run_scoped3A : memref<!tpu.dma_semaphore, #tpu.memory_space<semaphore_mem>>)
      tpu.wait_dma2 semaphore(%run_scoped3A : memref<!tpu.dma_semaphore, #tpu.memory_space<semaphore_mem>>) src(%arg4 : memref<10000xf32, #tpu.memory_space<hbm>>) dst(%arg10 : memref<10000xf32, #tpu.memory_space<vmem>>)
      tpu.yield
    }) : () -> ()
    "tpu.region"() ({
      %run_scoped3A = tpu.sem_alloc : memref<!tpu.dma_semaphore, #tpu.memory_space<semaphore_mem>>
      %dma_start3A = tpu.memref_slice %arg5[%mul3A_2] : memref<320000xi32, #tpu.memory_space<hbm>> -> memref<10000xi32, #tpu.memory_space<hbm>>
      %dma_start3A_9 = tpu.memref_slice %arg5[%mul3A_2] : memref<320000xi32, #tpu.memory_space<hbm>> -> memref<10000xi32, #tpu.memory_space<hbm>>
      tpu.enqueue_dma source(%dma_start3A_9 : memref<10000xi32, #tpu.memory_space<hbm>>) target(%arg11 : memref<10000xi32, #tpu.memory_space<vmem>>) target_semaphore(%run_scoped3A : memref<!tpu.dma_semaphore, #tpu.memory_space<semaphore_mem>>)
      %dma_wait3A = tpu.memref_slice %arg5[%mul3A_2] : memref<320000xi32, #tpu.memory_space<hbm>> -> memref<10000xi32, #tpu.memory_space<hbm>>
      %dma_wait3A_10 = tpu.memref_slice %arg5[%mul3A_2] : memref<320000xi32, #tpu.memory_space<hbm>> -> memref<10000xi32, #tpu.memory_space<hbm>>
      tpu.wait_dma2 semaphore(%run_scoped3A : memref<!tpu.dma_semaphore, #tpu.memory_space<semaphore_mem>>) src(%dma_wait3A_10 : memref<10000xi32, #tpu.memory_space<hbm>>) dst(%arg11 : memref<10000xi32, #tpu.memory_space<vmem>>)
      tpu.yield
    }) : () -> ()
    "tpu.region"() ({
      %run_scoped3A = tpu.sem_alloc : memref<!tpu.dma_semaphore, #tpu.memory_space<semaphore_mem>>
      %dma_start3A = tpu.memref_slice %arg6[%mul3A_2] : memref<320000xi32, #tpu.memory_space<hbm>> -> memref<10000xi32, #tpu.memory_space<hbm>>
      %dma_start3A_9 = tpu.memref_slice %arg6[%mul3A_2] : memref<320000xi32, #tpu.memory_space<hbm>> -> memref<10000xi32, #tpu.memory_space<hbm>>
      tpu.enqueue_dma source(%dma_start3A_9 : memref<10000xi32, #tpu.memory_space<hbm>>) target(%arg12 : memref<10000xi32, #tpu.memory_space<vmem>>) target_semaphore(%run_scoped3A : memref<!tpu.dma_semaphore, #tpu.memory_space<semaphore_mem>>)
      %dma_wait3A = tpu.memref_slice %arg6[%mul3A_2] : memref<320000xi32, #tpu.memory_space<hbm>> -> memref<10000xi32, #tpu.memory_space<hbm>>
      %dma_wait3A_10 = tpu.memref_slice %arg6[%mul3A_2] : memref<320000xi32, #tpu.memory_space<hbm>> -> memref<10000xi32, #tpu.memory_space<hbm>>
      tpu.wait_dma2 semaphore(%run_scoped3A : memref<!tpu.dma_semaphore, #tpu.memory_space<semaphore_mem>>) src(%dma_wait3A_10 : memref<10000xi32, #tpu.memory_space<hbm>>) dst(%arg12 : memref<10000xi32, #tpu.memory_space<vmem>>)
      tpu.yield
    }) : () -> ()
    %iota3A = tpu.iota {dimensions = array<i32: 0>} : vector<16xi32>
    %scan3A = arith.constant 0 : i32
    %scan3A_3 = arith.constant 0 : i32
    %scan3A_4 = arith.constant 125 : i32
    %scan3A_5 = arith.addi %scan3A_3, %scan3A_4 : i32
    %scan3A_6 = arith.constant 1 : i32
    %scan3A_7 = scf.for %scan3A_9 = %scan3A_3 to %scan3A_5 step %scan3A_6 iter_args(%scan3A_10 = %scan3A) -> (i32)  : i32 {
      %mul3A_11 = arith.constant 80 : i32
      %mul3A_12 = arith.muli %scan3A_9, %mul3A_11 : i32
      %add3A_13 = arith.addi %mul3A_2, %mul3A_12 : i32
      %scan3A_14 = arith.constant 0 : i32
      %scan3A_15 = arith.constant 0 : i32
      %scan3A_16 = arith.constant 5 : i32
      %scan3A_17 = arith.addi %scan3A_15, %scan3A_16 : i32
      %scan3A_18 = arith.constant 1 : i32
      %scan3A_19 = scf.for %scan3A_24 = %scan3A_15 to %scan3A_17 step %scan3A_18 iter_args(%scan3A_25 = %scan3A_14) -> (i32)  : i32 {
        %mul3A_26 = arith.constant 80 : i32
        %mul3A_27 = arith.muli %scan3A_9, %mul3A_26 : i32
        %mul3A_28 = arith.constant 16 : i32
        %mul3A_29 = arith.muli %scan3A_24, %mul3A_28 : i32
        %add3A_30 = arith.addi %mul3A_27, %mul3A_29 : i32
        %get3A = arith.index_cast %add3A_30 : i32 to index
        %get3A_31 = tpu.vector_load %arg11[%get3A] {strides = array<i32>} : memref<10000xi32, #tpu.memory_space<vmem>>, vector<16xi32>,
        %mul3A_32 = arith.constant 80 : i32
        %mul3A_33 = arith.muli %scan3A_9, %mul3A_32 : i32
        %mul3A_34 = arith.constant 16 : i32
        %mul3A_35 = arith.muli %scan3A_24, %mul3A_34 : i32
        %add3A_36 = arith.addi %mul3A_33, %mul3A_35 : i32
        %get3A_37 = arith.index_cast %add3A_36 : i32 to index
        %get3A_38 = tpu.vector_load %arg12[%get3A_37] {strides = array<i32>} : memref<10000xi32, #tpu.memory_space<vmem>>, vector<16xi32>,
        %gather3A = tpu.vector_load_idx %arg8[%get3A_38] : memref<10000xf32, #tpu.memory_space<vmem>>[vector<16xi32>], vector<16xf32>,
        %gather3A_39 = tpu.vector_load_idx %arg8[%get3A_31] : memref<10000xf32, #tpu.memory_space<vmem>>[vector<16xi32>], vector<16xf32>,
        %sub3A = arith.subf %gather3A, %gather3A_39 : vector<16xf32>
        %gather3A_40 = tpu.vector_load_idx %arg9[%get3A_38] : memref<10000xf32, #tpu.memory_space<vmem>>[vector<16xi32>], vector<16xf32>,
        %gather3A_41 = tpu.vector_load_idx %arg9[%get3A_31] : memref<10000xf32, #tpu.memory_space<vmem>>[vector<16xi32>], vector<16xf32>,
        %sub3A_42 = arith.subf %gather3A_40, %gather3A_41 : vector<16xf32>
        %gather3A_43 = tpu.vector_load_idx %arg10[%get3A_38] : memref<10000xf32, #tpu.memory_space<vmem>>[vector<16xi32>], vector<16xf32>,
        %gather3A_44 = tpu.vector_load_idx %arg10[%get3A_31] : memref<10000xf32, #tpu.memory_space<vmem>>[vector<16xi32>], vector<16xf32>,
        %sub3A_45 = arith.subf %gather3A_43, %gather3A_44 : vector<16xf32>
        %mul3A_46 = arith.mulf %sub3A, %sub3A : vector<16xf32>
        %mul3A_47 = arith.mulf %sub3A_42, %sub3A_42 : vector<16xf32>
        %add3A_48 = arith.addf %mul3A_46, %mul3A_47 : vector<16xf32>
        %mul3A_49 = arith.mulf %sub3A_45, %sub3A_45 : vector<16xf32>
        %add3A_50 = arith.addf %add3A_48, %mul3A_49 : vector<16xf32>
        %max3A = arith.constant 1.000000e-24 : f32
        %max3A_51 = vector.broadcast %max3A : f32 to vector<16xf32>
        %max3A_52 = arith.maximumf %add3A_50, %max3A_51 : vector<16xf32>
        %bitcast3A = vector.bitcast %max3A_52 : vector<16xf32> to vector<16xi32>
        %shift_right_logical3A = arith.constant 1 : i32
        %shift_right_logical3A_53 = vector.broadcast %shift_right_logical3A : i32 to vector<16xi32>
        %shift_right_logical3A_54 = arith.shrui %bitcast3A, %shift_right_logical3A_53 : vector<16xi32>
        %sub3A_55 = arith.constant 1597463007 : i32
        %sub3A_56 = vector.broadcast %sub3A_55 : i32 to vector<16xi32>
        %sub3A_57 = arith.subi %sub3A_56, %shift_right_logical3A_54 : vector<16xi32>
        %bitcast3A_58 = vector.bitcast %sub3A_57 : vector<16xi32> to vector<16xf32>
        %mul3A_59 = arith.constant 5.000000e-01 : f32
        %mul3A_60 = vector.broadcast %mul3A_59 : f32 to vector<16xf32>
        %mul3A_61 = arith.mulf %max3A_52, %mul3A_60 : vector<16xf32>
        %mul3A_62 = arith.mulf %mul3A_61, %bitcast3A_58 : vector<16xf32>
        %mul3A_63 = arith.mulf %mul3A_62, %bitcast3A_58 : vector<16xf32>
        %sub3A_64 = arith.constant 1.500000e+00 : f32
        %sub3A_65 = vector.broadcast %sub3A_64 : f32 to vector<16xf32>
        %sub3A_66 = arith.subf %sub3A_65, %mul3A_63 : vector<16xf32>
        %mul3A_67 = arith.mulf %bitcast3A_58, %sub3A_66 : vector<16xf32>
        %mul3A_68 = arith.mulf %mul3A_61, %mul3A_67 : vector<16xf32>
        %mul3A_69 = arith.mulf %mul3A_68, %mul3A_67 : vector<16xf32>
        %sub3A_70 = arith.constant 1.500000e+00 : f32
        %sub3A_71 = vector.broadcast %sub3A_70 : f32 to vector<16xf32>
        %sub3A_72 = arith.subf %sub3A_71, %mul3A_69 : vector<16xf32>
        %mul3A_73 = arith.mulf %mul3A_67, %sub3A_72 : vector<16xf32>
        %mul3A_74 = arith.mulf %mul3A_61, %mul3A_73 : vector<16xf32>
        %mul3A_75 = arith.mulf %mul3A_74, %mul3A_73 : vector<16xf32>
        %sub3A_76 = arith.constant 1.500000e+00 : f32
        %sub3A_77 = vector.broadcast %sub3A_76 : f32 to vector<16xf32>
        %sub3A_78 = arith.subf %sub3A_77, %mul3A_75 : vector<16xf32>
        %mul3A_79 = arith.mulf %mul3A_73, %sub3A_78 : vector<16xf32>
        %mul3A_80 = arith.mulf %max3A_52, %mul3A_79 : vector<16xf32>
        %add3A_81 = arith.constant 9.99999997E-7 : f32
        %add3A_82 = vector.broadcast %add3A_81 : f32 to vector<16xf32>
        %add3A_83 = arith.addf %mul3A_80, %add3A_82 : vector<16xf32>
        %div3A = arith.constant 1.000000e+00 : f32
        %div3A_84 = vector.broadcast %div3A : f32 to vector<16xf32>
        %div3A_85 = arith.divf %div3A_84, %add3A_83 : vector<16xf32>
        %mul3A_86 = arith.constant 16 : i32
        %mul3A_87 = arith.muli %scan3A_24, %mul3A_86 : i32
        %add3A_88 = vector.broadcast %mul3A_87 : i32 to vector<16xi32>
        %add3A_89 = arith.addi %iota3A, %add3A_88 : vector<16xi32>
        %mul3A_90 = arith.constant 4 : i32
        %mul3A_91 = vector.broadcast %mul3A_90 : i32 to vector<16xi32>
        %mul3A_92 = arith.muli %add3A_89, %mul3A_91 : vector<16xi32>
        tpu.vector_store_idx %arg13[%mul3A_92], %mul3A_80 : memref<320xf32, #tpu.memory_space<vmem>>[vector<16xi32>], vector<16xf32>,
        %add3A_93 = arith.constant 1 : i32
        %add3A_94 = vector.broadcast %add3A_93 : i32 to vector<16xi32>
        %add3A_95 = arith.addi %mul3A_92, %add3A_94 : vector<16xi32>
        %mul3A_96 = arith.mulf %sub3A, %div3A_85 : vector<16xf32>
        tpu.vector_store_idx %arg13[%add3A_95], %mul3A_96 : memref<320xf32, #tpu.memory_space<vmem>>[vector<16xi32>], vector<16xf32>,
        %add3A_97 = arith.constant 2 : i32
        %add3A_98 = vector.broadcast %add3A_97 : i32 to vector<16xi32>
        %add3A_99 = arith.addi %mul3A_92, %add3A_98 : vector<16xi32>
        %mul3A_100 = arith.mulf %sub3A_42, %div3A_85 : vector<16xf32>
        tpu.vector_store_idx %arg13[%add3A_99], %mul3A_100 : memref<320xf32, #tpu.memory_space<vmem>>[vector<16xi32>], vector<16xf32>,
        %add3A_101 = arith.constant 3 : i32
        %add3A_102 = vector.broadcast %add3A_101 : i32 to vector<16xi32>
        %add3A_103 = arith.addi %mul3A_92, %add3A_102 : vector<16xi32>
        %mul3A_104 = arith.mulf %sub3A_45, %div3A_85 : vector<16xf32>
        tpu.vector_store_idx %arg13[%add3A_103], %mul3A_104 : memref<320xf32, #tpu.memory_space<vmem>>[vector<16xi32>], vector<16xf32>,
        %scan3A_105 = arith.constant 0 : i32
        scf.yield %scan3A_105 : i32
      }
      %scan3A_20 = arith.constant 5 : i32
      %mul3A_21 = arith.constant 4 : i32
      %mul3A_22 = arith.muli %add3A_13, %mul3A_21 : i32
      "tpu.region"() ({
        %run_scoped3A = tpu.sem_alloc : memref<!tpu.dma_semaphore, #tpu.memory_space<semaphore_mem>>
        %dma_start3A = tpu.memref_slice %arg7[%mul3A_22] : memref<1280000xf32, #tpu.memory_space<hbm>> -> memref<320xf32, #tpu.memory_space<hbm>>
        %dma_start3A_24 = tpu.memref_slice %arg7[%mul3A_22] : memref<1280000xf32, #tpu.memory_space<hbm>> -> memref<320xf32, #tpu.memory_space<hbm>>
        tpu.enqueue_dma source(%arg13 : memref<320xf32, #tpu.memory_space<vmem>>) target(%dma_start3A_24 : memref<320xf32, #tpu.memory_space<hbm>>) target_semaphore(%run_scoped3A : memref<!tpu.dma_semaphore, #tpu.memory_space<semaphore_mem>>)
        %dma_wait3A = tpu.memref_slice %arg7[%mul3A_22] : memref<1280000xf32, #tpu.memory_space<hbm>> -> memref<320xf32, #tpu.memory_space<hbm>>
        %dma_wait3A_25 = tpu.memref_slice %arg7[%mul3A_22] : memref<1280000xf32, #tpu.memory_space<hbm>> -> memref<320xf32, #tpu.memory_space<hbm>>
        tpu.wait_dma2 semaphore(%run_scoped3A : memref<!tpu.dma_semaphore, #tpu.memory_space<semaphore_mem>>) src(%arg13 : memref<320xf32, #tpu.memory_space<vmem>>) dst(%dma_wait3A_25 : memref<320xf32, #tpu.memory_space<hbm>>)
        tpu.yield
      }) : () -> ()
      %scan3A_23 = arith.constant 0 : i32
      scf.yield %scan3A_23 : i32
    }
    %scan3A_8 = arith.constant 125 : i32
    return
  }
}

module attributes {stable_mosaic.version = 14 : i64} {
  func.func @body(%arg0: i32, %arg1: memref<8000x4xf32, #tpu.memory_space<vmem>>, %arg2: memref<4x128xf32, #tpu.memory_space<vmem>>, %arg3: memref<1x128xf32, #tpu.memory_space<vmem>>, %arg4: memref<8000x128xf32, #tpu.memory_space<vmem>>) attributes {dimension_semantics = [#tpu.dimension_semantics<arbitrary>], iteration_bounds = array<i64: 40>, scalar_prefetch = 0 : i64, scratch_operands = 0 : i64, tpu.core_type = #tpu.core_type<tc>, window_params = [{transform_indices = @transform_0, window_bounds = array<i64: 8000, 4>}, {pipeline_mode = #tpu.pipeline_mode<synchronous>, transform_indices = @transform_1, window_bounds = array<i64: 4, 128>}, {pipeline_mode = #tpu.pipeline_mode<synchronous>, transform_indices = @transform_2, window_bounds = array<i64: 1, 128>}, {transform_indices = @transform_3, window_bounds = array<i64: 8000, 128>}]} {
    %get3A = arith.constant 0 : index
    %get3A_0 = arith.constant 0 : index
    %get3A_1 = vector.load %arg1[%get3A, %get3A_0] : memref<8000x4xf32, #tpu.memory_space<vmem>>, vector<8000x4xf32>
    %get3A_2 = arith.constant 0 : index
    %get3A_3 = arith.constant 0 : index
    %get3A_4 = vector.load %arg2[%get3A_2, %get3A_3] : memref<4x128xf32, #tpu.memory_space<vmem>>, vector<4x128xf32>
    %dot_general3A = arith.constant dense<0.000000e+00> : vector<8000x128xf32>
    %dot_general3A_5 = tpu.matmul %get3A_1, %get3A_4, %dot_general3A {dimension_numbers = #tpu.dot_dimension_numbers<[1], [0], [0], [1], [0, 0, 1, 1], [], []>, transpose_lhs_hint = false} : vector<8000x4xf32>, vector<4x128xf32>, vector<8000x128xf32> -> vector<8000x128xf32>
    %get3A_6 = arith.constant 0 : index
    %get3A_7 = arith.constant 0 : index
    %get3A_8 = vector.load %arg3[%get3A_6, %get3A_7] : memref<1x128xf32, #tpu.memory_space<vmem>>, vector<1x128xf32>
    %add3A = vector.broadcast %get3A_8 : vector<1x128xf32> to vector<8000x128xf32>
    %add3A_9 = arith.addf %dot_general3A_5, %add3A : vector<8000x128xf32>
    %mul3A = arith.constant 5.000000e-01 : f32
    %mul3A_10 = vector.broadcast %mul3A : f32 to vector<8000x128xf32>
    %mul3A_11 = arith.mulf %mul3A_10, %add3A_9 : vector<8000x128xf32>
    %mul3A_12 = arith.constant 0.707106769 : f32
    %mul3A_13 = vector.broadcast %mul3A_12 : f32 to vector<8000x128xf32>
    %mul3A_14 = arith.mulf %add3A_9, %mul3A_13 : vector<8000x128xf32>
    %erf3A = math.erf %mul3A_14 : vector<8000x128xf32>
    %add3A_15 = arith.constant 1.000000e+00 : f32
    %add3A_16 = vector.broadcast %add3A_15 : f32 to vector<8000x128xf32>
    %add3A_17 = arith.addf %add3A_16, %erf3A : vector<8000x128xf32>
    %mul3A_18 = arith.mulf %mul3A_11, %add3A_17 : vector<8000x128xf32>
    %swap3A = arith.constant 0 : index
    %swap3A_19 = arith.constant 0 : index
    %swap3A_20 = vector.load %arg4[%swap3A, %swap3A_19] : memref<8000x128xf32, #tpu.memory_space<vmem>>, vector<8000x128xf32>
    tpu.vector_store %arg4[%swap3A, %swap3A_19], %mul3A_18 {strides = array<i32>} : memref<8000x128xf32, #tpu.memory_space<vmem>>, vector<8000x128xf32>,
    return
  }
  func.func @transform_0(%arg0: i32) -> (i32, i32) {
    %c0_i32 = arith.constant 0 : i32
    %c0_i32_0 = arith.constant 0 : i32
    return %arg0, %c0_i32 : i32, i32
  }
  func.func @transform_1(%arg0: i32) -> (i32, i32) {
    %c0_i32 = arith.constant 0 : i32
    %c0_i32_0 = arith.constant 0 : i32
    %c0_i32_1 = arith.constant 0 : i32
    return %c0_i32, %c0_i32_0 : i32, i32
  }
  func.func @transform_2(%arg0: i32) -> (i32, i32) {
    %c0_i32 = arith.constant 0 : i32
    %c0_i32_0 = arith.constant 0 : i32
    %c0_i32_1 = arith.constant 0 : i32
    return %c0_i32, %c0_i32_0 : i32, i32
  }
  func.func @transform_3(%arg0: i32) -> (i32, i32) {
    %c0_i32 = arith.constant 0 : i32
    %c0_i32_0 = arith.constant 0 : i32
    return %arg0, %c0_i32 : i32, i32
  }
}

module attributes {stable_mosaic.version = 14 : i64} {
  func.func @body(%arg0: i32, %arg1: memref<2x2000x128xf32, #tpu.memory_space<vmem>>, %arg2: memref<128x128xf32, #tpu.memory_space<vmem>>, %arg3: memref<1x128xf32, #tpu.memory_space<vmem>>, %arg4: memref<2000x128xf32, #tpu.memory_space<vmem>>) attributes {dimension_semantics = [#tpu.dimension_semantics<arbitrary>], iteration_bounds = array<i64: 5>, scalar_prefetch = 0 : i64, scratch_operands = 0 : i64, tpu.core_type = #tpu.core_type<tc>, window_params = [{transform_indices = @transform_0, window_bounds = array<i64: 2, 2000, 128>}, {pipeline_mode = #tpu.pipeline_mode<synchronous>, transform_indices = @transform_1, window_bounds = array<i64: 128, 128>}, {pipeline_mode = #tpu.pipeline_mode<synchronous>, transform_indices = @transform_2, window_bounds = array<i64: 1, 128>}, {transform_indices = @transform_3, window_bounds = array<i64: 2000, 128>}]} {
    %get3A = arith.constant 0 : index
    %get3A_0 = arith.constant 0 : index
    %get3A_1 = arith.constant 0 : index
    %get3A_2 = vector.load %arg1[%get3A, %get3A_0, %get3A_1] : memref<2x2000x128xf32, #tpu.memory_space<vmem>>, vector<1x2000x128xf32>
    %get3A_3 = vector.shape_cast %get3A_2 : vector<1x2000x128xf32> to vector<2000x128xf32>
    %get3A_4 = arith.constant 1 : index
    %get3A_5 = arith.constant 0 : index
    %get3A_6 = arith.constant 0 : index
    %get3A_7 = vector.load %arg1[%get3A_4, %get3A_5, %get3A_6] : memref<2x2000x128xf32, #tpu.memory_space<vmem>>, vector<1x2000x128xf32>
    %get3A_8 = vector.shape_cast %get3A_7 : vector<1x2000x128xf32> to vector<2000x128xf32>
    %add3A = arith.addf %get3A_3, %get3A_8 : vector<2000x128xf32>
    %add3A_9 = arith.constant 0.000000e+00 : f32
    %add3A_10 = vector.broadcast %add3A_9 : f32 to vector<2000x128xf32>
    %add3A_11 = arith.addf %add3A_10, %add3A : vector<2000x128xf32>
    %get3A_12 = arith.constant 0 : index
    %get3A_13 = arith.constant 0 : index
    %get3A_14 = vector.load %arg2[%get3A_12, %get3A_13] : memref<128x128xf32, #tpu.memory_space<vmem>>, vector<128x128xf32>
    %dot_general3A = arith.constant dense<0.000000e+00> : vector<2000x128xf32>
    %dot_general3A_15 = tpu.matmul %add3A_11, %get3A_14, %dot_general3A {dimension_numbers = #tpu.dot_dimension_numbers<[1], [0], [0], [1], [0, 0, 1, 1], [], []>, transpose_lhs_hint = false} : vector<2000x128xf32>, vector<128x128xf32>, vector<2000x128xf32> -> vector<2000x128xf32>
    %get3A_16 = arith.constant 0 : index
    %get3A_17 = arith.constant 0 : index
    %get3A_18 = vector.load %arg3[%get3A_16, %get3A_17] : memref<1x128xf32, #tpu.memory_space<vmem>>, vector<1x128xf32>
    %add3A_19 = vector.broadcast %get3A_18 : vector<1x128xf32> to vector<2000x128xf32>
    %add3A_20 = arith.addf %dot_general3A_15, %add3A_19 : vector<2000x128xf32>
    %mul3A = arith.constant 5.000000e-01 : f32
    %mul3A_21 = vector.broadcast %mul3A : f32 to vector<2000x128xf32>
    %mul3A_22 = arith.mulf %mul3A_21, %add3A_20 : vector<2000x128xf32>
    %mul3A_23 = arith.constant 0.707106769 : f32
    %mul3A_24 = vector.broadcast %mul3A_23 : f32 to vector<2000x128xf32>
    %mul3A_25 = arith.mulf %add3A_20, %mul3A_24 : vector<2000x128xf32>
    %erf3A = math.erf %mul3A_25 : vector<2000x128xf32>
    %add3A_26 = arith.constant 1.000000e+00 : f32
    %add3A_27 = vector.broadcast %add3A_26 : f32 to vector<2000x128xf32>
    %add3A_28 = arith.addf %add3A_27, %erf3A : vector<2000x128xf32>
    %mul3A_29 = arith.mulf %mul3A_22, %add3A_28 : vector<2000x128xf32>
    %swap3A = arith.constant 0 : index
    %swap3A_30 = arith.constant 0 : index
    %swap3A_31 = vector.load %arg4[%swap3A, %swap3A_30] : memref<2000x128xf32, #tpu.memory_space<vmem>>, vector<2000x128xf32>
    tpu.vector_store %arg4[%swap3A, %swap3A_30], %mul3A_29 {strides = array<i32>} : memref<2000x128xf32, #tpu.memory_space<vmem>>, vector<2000x128xf32>,
    return
  }
  func.func @transform_0(%arg0: i32) -> (i32, i32, i32) {
    %c0_i32 = arith.constant 0 : i32
    %c0_i32_0 = arith.constant 0 : i32
    %c0_i32_1 = arith.constant 0 : i32
    return %c0_i32, %arg0, %c0_i32_0 : i32, i32, i32
  }
  func.func @transform_1(%arg0: i32) -> (i32, i32) {
    %c0_i32 = arith.constant 0 : i32
    %c0_i32_0 = arith.constant 0 : i32
    %c0_i32_1 = arith.constant 0 : i32
    return %c0_i32, %c0_i32_0 : i32, i32
  }
  func.func @transform_2(%arg0: i32) -> (i32, i32) {
    %c0_i32 = arith.constant 0 : i32
    %c0_i32_0 = arith.constant 0 : i32
    %c0_i32_1 = arith.constant 0 : i32
    return %c0_i32, %c0_i32_0 : i32, i32
  }
  func.func @transform_3(%arg0: i32) -> (i32, i32) {
    %c0_i32 = arith.constant 0 : i32
    %c0_i32_0 = arith.constant 0 : i32
    return %arg0, %c0_i32 : i32, i32
  }
}

</mosaic_0001>

<sc_bundles>
// kernel: kernel.6.cloned.1.call-start
scs
__scs_entry_jumppad:
0x0: {  	(pc) =	sbr.rel $0x88, $3  }
0x1: {  	(tag) =	ssettag $0x0;
	lr =	simm.s32 $0x1  }
0x2: {  	[smem:$0x3F9A] =	sst lr;
	_ =	strace $0xD0000000  }
0x3: {  	_ = 	snop  }
0x4: {  	_ = 	snop  }
0x5: {  	_ = 	snop  }
0x6: {  	_ = 	snop  }
0x7: {  	_ = 	snop  }
__scs_overlays_trampoline_lowered:
0x8: {  	[smem:$0x3FA9] =	sst s0  }
0x9: {  	[smem:$0x3FAA] =	sst s1  }
0xa: {  	[smem:$0x3FAB] =	sst s2  }
0xb: {  	[smem:$0x3FAC] =	sst s3  }
0xc: {  	[smem:$0x3FAD] =	sst s4  }
0xd: {  	[smem:$0x3FAE] =	sst s5  }
0xe: {  	[smem:$0x3FAF] =	sst s6  }
0xf: {  	[smem:$0x3FB0] =	sst s7  }
0x10: {  	[smem:$0x3FB1] =	sst s8  }
0x11: {  	[smem:$0x3FB2] =	sst s9;
	s0 =	simm.s32 @!p0 $0x0  }
0x12: {  	s1 =	sld [smem:$0x3F98];
	s0 =	simm.s32 @p0 $0x1  }
0x13: {  	[smem:$0x3FB3] =	sst s0;
	s0 =	simm.s32 @!p1 $0x0  }
0x14: {  	s2 =	sld [smem:$0x3F97];
	s0 =	simm.s32 @p1 $0x1  }
0x15: {  	[smem:$0x3FB4] =	sst s0;
	s0 =	simm.s32 @!p2 $0x0  }
0x16: {  	s3 =	sld [smem:$0x3FDB];
	s0 =	simm.s32 @p2 $0x1  }
0x17: {  	s4 =	simm.s32 $0x1BF5;
	[smem:$0x3FB6] =	sst s0  }
0x18: {  	s0 =	sld [smem:$0x3F99];
	_ =	swait.ge [sflag:s4], $0x0  }
0x19: {  	s7 =	sld [smem:$0x3F9A]  }
0x1a: {  	s8 =	sadd.s32 $0xFFFFE003, lr  }
0x1b: {  	s9 =	sadd.s32 $0xFFFFFEF7, lr;
	s5 =	simm.s32 $0xFFFFFFFF;
	p2 =	slt.u32 s8, $0xFFFFF086  }
0x1c: {  	p1 =	slt.u32 s9, $0xF7A;
	s5 =	simm.s32 @!p2 $0x0  }
0x1d: {  	s5 =	simm.s32 @p1 $0x1;
	p0 =	seq.s32 s7, s2  }
0x1e: {  	s7 =	smul.u32 @!p0 $0xF7A, s2;
	p2 =	seq.s32 @!p0 s5, $0x0  }
0x1f: {  	s9 =	smul.u32 $0xF7A, s1;
	s8 =	simm.s32 @!p0 $0x1BF5;
	p2 =	por !p2, p0  }
0x20: {  	[sflag:s8] =	ssyncset.s32 @!p0 $0xFFFFF086;
	s6 =	sadd.s32 @!p0 s3, s7;
	s7 =	simm.s32 @!p0 $0x108  }
0x21: {  	s3 =	sadd.s32 s3, s9;
	s6 =	sadd.s32 @!p0 $0x88, s6;
	s7 =	simm.s32 @p2 $0x1082  }
0x22: {  	[simem:s7], [sflag:s8] =	dma.local @!p0 [hbm:s6], $0xF7A  }
0x23: {  	s9 =	sor.u32 $0xD0000000, s2;
	s6 =	simm.s32 $0x108;
	_ =	swait.ge @!p0 [sflag:s8], $0x0  }
0x24: {  	s3 =	sadd.s32 $0x88, s3;
	s6 =	simm.s32 @!p1 $0x1082;
	[sflag:s4] =	ssyncset.s32 $0xFFFFF086  }
0x25: {  	[simem:s6], [sflag:s4] =	dma.local [hbm:s3], $0xF7A  }
0x26: {  	[smem:$0x3F9A] =	sst s1;
	(tag) =	ssettag s2;
	_ =	strace s9  }
0x27: {  	s1 =	sld [smem:$0x3FAA]  }
0x28: {  	s2 =	sld [smem:$0x3FAB]  }
0x29: {  	s4 =	sld [smem:$0x3FAD]  }
0x2a: {  	p0 =	seq.s32 s5, $0x0;
	s5 =	sld [smem:$0x3FAE]  }
0x2b: {  	s6 =	sld [smem:$0x3FAF]  }
0x2c: {  	s7 =	sld [smem:$0x3FB0]  }
0x2d: {  	s3 =	simm.s32 $0x108;
	s8 =	sld [smem:$0x3FB1]  }
0x2e: {  	s3 =	simm.s32 @!p0 $0x1082;
	s9 =	sld [smem:$0x3FB2]  }
0x2f: {  	lr =	sadd.s32 s0, s3;
	s0 =	sld [smem:$0x3FA9]  }
0x30: {  	s3 =	sld [smem:$0x3FAC]  }
0x31: {  	[smem:$0x3FB5] =	sst s10  }
0x32: {  	s10 =	sld [smem:$0x3FB3];
	_ =	sdelay $0x3  }
0x33: {  	p0 =	seq.s32 s10, $0x1;
	s10 =	sld [smem:$0x3FB5];
	_ =	sdelay $0x3  }
0x34: {  	[smem:$0x3FB5] =	sst s10  }
0x35: {  	s10 =	sld [smem:$0x3FB4];
	_ =	sdelay $0x3  }
0x36: {  	p1 =	seq.s32 s10, $0x1;
	s10 =	sld [smem:$0x3FB5];
	_ =	sdelay $0x3  }
0x37: {  	[smem:$0x3FB5] =	sst s10  }
0x38: {  	s10 =	sld [smem:$0x3FB6]  }
0x39: {  	_ = 	snop;
	(pc) =	sbr.ind lr, $3  }
0x3a: {  	_ = 	snop  }
0x3b: {  	_ = 	snop  }
0x3c: {  	p2 =	seq.s32 s10, $0x1;
	s10 =	sld [smem:$0x3FB5]  }
0x3d: {  	_ =	shalt  }
0x3e: {  	_ =	shalt  }
0x3f: {  	_ =	shalt  }
0x40: {  	_ =	shalt  }
0x41: {  	_ =	shalt  }
0x42: {  	_ =	shalt  }
0x43: {  	_ =	shalt  }
0x44: {  	_ =	shalt  }
0x45: {  	_ =	shalt  }
0x46: {  	_ =	shalt  }
0x47: {  	_ =	shalt  }
0x48: {  	_ =	shalt  }
0x49: {  	_ =	shalt  }
0x4a: {  	_ =	shalt  }
0x4b: {  	_ =	shalt  }
0x4c: {  	_ =	shalt  }
0x4d: {  	_ =	shalt  }
0x4e: {  	_ =	shalt  }
0x4f: {  	_ =	shalt  }
0x50: {  	_ =	shalt  }
0x51: {  	_ =	shalt  }
0x52: {  	_ =	shalt  }
0x53: {  	_ =	shalt  }
0x54: {  	_ =	shalt  }
0x55: {  	_ =	shalt  }
0x56: {  	_ =	shalt  }
0x57: {  	_ =	shalt  }
0x58: {  	_ =	shalt  }
0x59: {  	_ =	shalt  }
0x5a: {  	_ =	shalt  }
0x5b: {  	_ =	shalt  }
0x5c: {  	_ =	shalt  }
0x5d: {  	_ =	shalt  }
0x5e: {  	_ =	shalt  }
0x5f: {  	_ =	shalt  }
0x60: {  	_ =	shalt  }
0x61: {  	_ =	shalt  }
0x62: {  	_ =	shalt  }
0x63: {  	_ =	shalt  }
0x64: {  	_ =	shalt  }
0x65: {  	_ =	shalt  }
0x66: {  	_ =	shalt  }
0x67: {  	_ =	shalt  }
0x68: {  	_ =	shalt  }
0x69: {  	_ =	shalt  }
0x6a: {  	_ =	shalt  }
0x6b: {  	_ =	shalt  }
0x6c: {  	_ =	shalt  }
0x6d: {  	_ =	shalt  }
0x6e: {  	_ =	shalt  }
0x6f: {  	_ =	shalt  }
0x70: {  	_ =	shalt  }
0x71: {  	_ =	shalt  }
0x72: {  	_ =	shalt  }
0x73: {  	_ =	shalt  }
0x74: {  	_ =	shalt  }
0x75: {  	_ =	shalt  }
0x76: {  	_ =	shalt  }
0x77: {  	_ =	shalt  }
0x78: {  	_ =	shalt  }
0x79: {  	_ =	shalt  }
0x7a: {  	_ =	shalt  }
0x7b: {  	_ =	shalt  }
0x7c: {  	_ =	shalt  }
0x7d: {  	_ =	shalt  }
0x7e: {  	_ =	shalt  }
0x7f: {  	_ =	shalt  }
0x80: {  	_ =	shalt  }
0x81: {  	_ =	shalt  }
0x82: {  	_ =	shalt  }
0x83: {  	_ =	shalt  }
0x84: {  	_ =	shalt  }
0x85: {  	_ =	shalt  }
0x86: {  	_ =	shalt  }
0x87: {  	_ =	shalt  }
.Lfunc_end0:
.L_simem_size_0:
called_computation_lowered:
.L_overlay_start_0:
0x88: {  	s2 =	sld [smem:$0x3FD9]  }
0x89: {  	s3 =	sld [smem:$0x3FFE];
	_ =	sdelay $0x1  }
0x8a: {  	s1 =	srdreg.scid  }
0x8b: {  	s0 =	sand.u32 $0x1, s1  }
0x8c: {  	s17 =	sshll.u32 s0, $0xA;
	s2 =	sadd.s32 s3, s2  }
0x8d: {  	s2 =	sadd.s32 s2, s17  }
0x8e: {  	[smem:$0x3FC1] =	sst s2  }
0x8f: {  	_ = 	snop  }
0x90: {  	s2 =	sld [smem:$0x3FD0];
	(tm) =	ssettm $0x1  }
0x91: {  	s18 =	sld [smem:$0x3FFB];
	_ =	sdelay $0x3  }
0x92: {  	_ =	strace s18  }
0x93: {  	s3 =	sld [smem:$0x3FFC];
	_ =	sdelay $0x3  }
0x94: {  	_ =	strace s3  }
0x95: {  	s3 =	sld [smem:$0x3FFD];
	_ =	sdelay $0x3  }
0x96: {  	_ =	strace s3  }
0x97: {  	_ =	strace $0x8FFFFFFF  }
0x98: {  	s19 =	sld [smem:$0x3FDB];
	_ =	sdelay $0x1  }
0x99: {  	s4 =	simm.s32 $_scs_section_size  }
0x9a: {  	s5 =	simm.s32 $_size__tile_overlayer_lowered;
	s6 =	simm.s32 $_tile_overlayer_lowered  }
0x9b: {  	s22 =	simm.s32 $0x1BFF;
	s21 =	sshll.u32 s6, $0x1;
	s3 =	sadd.s32 s4, s19  }
0x9c: {  	s7 =	simm.s32 $0x0;
	s20 =	sshll.u32 s5, $0x1;
	s5 =	sadd.s32 s21, s3  }
0x9d: {  	[timem:s7], [sflag:s22] =	dma.local [hbm:s5], s20  }
0x9e: {  	_ =	swait.ge [sflag:s22], s20  }
0x9f: {  	s4 =	ssub.s32 $0x0, s20;
	[sflag:s22] =	ssyncset.done $0x0  }
0xa0: {  	[sflag:s22] =	ssyncadd.s32 s4;
	_ =	sdelay $0x1  }
0xa1: {  	s23 =	simm.s32 $0x1B8B  }
0xa2: {  	_ =	swait.ge [sflag:s23], $0x1  }
0xa3: {  	[sflag:s23] =	ssyncset.done $0x0  }
0xa4: {  	s25 =	simm.s32 $0x1B8E;
	s24 =	sld [smem:$0x3FFE];
	[sflag:s23] =	ssyncadd.s32 $0xFFFFFFFF  }
0xa5: {  	s26 =	simm.s32 $execute0_lowered;
	[smem:$0x3FD2] =	sst s25  }
0xa6: {  	s5 =	sshll.u32 s26, $0x1;
	_ =	strace $0x80000046;
	[dreg:$0x1] =	wrdreg $0xFFFFFFFF  }
0xa7: {  	s28 =	simm.s32 $_size_execute0_lowered;
	s3 =	sadd.s32 s3, s5;
	[dreg:$0x0] =	wrdreg $0x0  }
0xa8: {  	s5 =	sshll.u32 s28, $0x1;
	[dreg:$0x2] =	wrdreg s3  }
0xa9: {  	[dreg:$0x3] =	wrdreg s5  }
0xaa: {  	[dreg:$0x4] =	wrdreg $0xC0  }
0xab: {  	_ =	task [dreg:s7], $0x5FFFF  }
0xac: {  	[dreg:$0x1] =	wrdreg $0xFFFFFFFF  }
0xad: {  	[dreg:$0x0] =	wrdreg $0x60  }
0xae: {  	[dreg:$0x2] =	wrdreg s24  }
0xaf: {  	[dreg:$0x3] =	wrdreg s2  }
0xb0: {  	[dreg:$0x4] =	wrdreg $0x9  }
0xb1: {  	_ =	task.clear_ibuf [dreg:s7], $0x5FFFF;
	_ =	strace $0x90000046  }
0xb2: {  	s29 =	simm.s32 $0x9;
	_ =	strace $0x80000048  }
0xb3: {  	_ =	swait.ge [sflag:s29], $0x1  }
0xb4: {  	[sflag:s29] =	ssyncadd.s32 $0xFFFFFFFF  }
0xb5: {  	_ =	strace $0x90000048  }
0xb6: {  	_ =	sfence  }
0xb7: {  	s30 =	sld [smem:$0x0];
	_ =	sdelay $0x2  }
0xb8: {  	s31 =	sshll.u32 s1, $0xD;
	s1 =	sshrl.u32 s1, $0x2  }
0xb9: {  	s3 =	sand.u32 $0x4000, s31;
	s1 =	sadd.s32 s1, s30  }
0xba: {  	s0 =	sor.u32 s3, s0;
	s1 =	sshll.u32 s1, $0x11  }
0xbb: {  	s0 =	sor.u32 s1, s0  }
0xbc: {  	s0 =	sadd.s32 $0x8F2B, s0  }
0xbd: {  	[sflag:s0] =	ssyncadd.remote.s32 $0x1  }
0xbe: {  	_ =	sfence.sel $0xFFFF  }
0xbf: {  	[dreg:$0x0] =	wrdreg $0xFFFFFFFF;
	(pc) =	sbr.abs _section_cstart, $3  }
0xc0: {  	[dreg:$0x1] =	wrdreg $0xFFFFFFFF  }
0xc1: {  	_ =	task.clear_ibuf [dreg:s7], $0x2FFFF;
	_ =	strace $0x9FFFFFFF  }
0xc2: {  	(tm) =	ssettm $0x7FFFFFFF  }
0xc3: {  	_ =	shalt  }
tec
execute0_lowered:
.L_overlay_start_1:
0x0: {  	(tag) =	ssettag $0x1  }
0x1: {  	s8 =	rddreg [dreg:$0x0]  }
0x2: {  	s1 =	srdreg.scid;
	s0 =	stileid.u32  }
0x3: {  	s2 =	rddreg [dreg:$0x1];
	s3 =	simm.s32 $0x0;
	s11 =	simm.s32 $0x1  }
0x4: {  	s12 =	simm.s32 $0x2780;
	s6 =	sand.u32 $0x1, s1;
	s4 =	sshll.u32 s0, $0x1  }
0x5: {  	s13 =	simm.s32 $0x4F00;
	s14 =	simm.s32 $0xC580;
	s4 =	sor.u32 s6, s4  }
0x6: {  	s15 =	simm.s32 $0x0;
	s1 =	rddreg [dreg:$0x2];
	s4 =	smul.u32 $0x2710, s4  }
0x7: {  	[smem:$0x7FF] =	sst s3;
	s5 =	sadd.s32 $0x14800, s8;
	s9 =	ssub.s32 $0x2, s6  }
0x8: {  	_ =	strace $0x80000047;
	s10 =	sshrl.u32 s9, $0x1;
	s7 =	sshrl.u32 s4, $0x3  }
0x9: {  	v0 =	vlaneseq.u32;
	s6 =	sadd.s32 $0x14200, s8;
	s10 =	ssub.s32 s9, s10;
	s7 =	sadd.s32 s8, s7  }
0xa: {  	v0 =	vmul.u32 $0x4, v0;
	s10 =	smax.u32 s10, $0x1;
	s8 =	sadd.s32 $0x13C00, s8;
	s9 =	sadd.s32 $0x9E00, s7  }
.LBB2_1:
0xb: {  	[tilespmem:s3], [sflag:$0x1] =	stream.linear.gather [hbm4b:s5+s3], $0x2780, $0x38;
	[tilespmem:$0xC700] =	vst v63  }
0xc: {  	_ =	swait.ge [sflag:s11], $0x2780  }
0xd: {  	[sflag:s11] =	ssyncset.done $0x0  }
0xe: {  	[sflag:s11] =	ssyncadd.s32 $0xFFFFD880  }
0xf: {  	[tilespmem:s12], [sflag:$0x1] =	stream.linear.gather [hbm4b:s6+s3], $0x2780, $0x38;
	[tilespmem:$0xC700] =	vst v63  }
0x10: {  	_ =	swait.ge [sflag:s11], $0x2780  }
0x11: {  	[sflag:s11] =	ssyncset.done $0x0  }
0x12: {  	[sflag:s11] =	ssyncadd.s32 $0xFFFFD880  }
0x13: {  	[tilespmem:s13], [sflag:$0x1] =	stream.linear.gather [hbm4b:s8+s3], $0x2780, $0x38;
	[tilespmem:$0xC700] =	vst v63  }
0x14: {  	_ =	swait.ge [sflag:s11], $0x2780  }
0x15: {  	[sflag:s11] =	ssyncset.done $0x0  }
0x16: {  	s16 =	simm.s32 $0x7680;
	[sflag:s11] =	ssyncadd.s32 $0xFFFFD880  }
0x17: {  	[tilespmem:s16], [sflag:$0x1] =	stream.linear.gather [hbm4b:s9+s3], $0x2710, $0x38;
	[tilespmem:$0xC700] =	vst v63  }
0x18: {  	_ =	swait.ge [sflag:s11], $0x2710  }
0x19: {  	[sflag:s11] =	ssyncset.done $0x0  }
0x1a: {  	s17 =	simm.s32 $0x9E00;
	[sflag:s11] =	ssyncadd.s32 $0xFFFFD8F0  }
0x1b: {  	[tilespmem:s17], [sflag:$0x1] =	stream.linear.gather [hbm4b:s7+s3], $0x2710, $0x38;
	[tilespmem:$0xC700] =	vst v63  }
0x1c: {  	_ =	swait.ge [sflag:s11], $0x2710  }
0x1d: {  	[sflag:s11] =	ssyncset.done $0x0  }
0x1e: {  	s18 =	simm.s32 $0x0;
	[sflag:s11] =	ssyncadd.s32 $0xFFFFD8F0  }
.LBB2_2:
0x1f: {  	v1 =	vld [tilespmem:s16+$0x0];
	_ =	sdelay $0x1  }
0x20: {  	v2 =	vld [tilespmem:s17+$0x0];
	_ =	sdelay $0x5  }
0x21: {  	v3 =	vld.idx.msk [tilespmem:v1+s3+$0x0], $0xffff  }
0x22: {  	v4 =	vld.idx.msk [tilespmem:v1+s12+$0x0], $0xffff  }
0x23: {  	v5 =	vld.idx.msk [tilespmem:v2+s3+$0x0], $0xffff  }
0x24: {  	v6 =	vld.idx.msk [tilespmem:v2+s12+$0x0], $0xffff  }
0x25: {  	v1 =	vld.idx.msk [tilespmem:v1+s13+$0x0], $0xffff  }
0x26: {  	v2 =	vld.idx.msk [tilespmem:v2+s13+$0x0], $0xffff;
	_ =	sdelay $0x2  }
0x27: {  	v5 =	vsub.f32 v5, v3;
	v8 =	vsub.f32 v6, v4;
	_ =	sdelay $0x1  }
0x28: {  	v1 =	vsub.f32 v2, v1;
	v2 =	vmul.f32 v5, v5;
	v3 =	vmul.f32 v8, v8;
	_ =	sdelay $0x1  }
0x29: {  	v4 =	vmul.f32 v1, v1;
	v2 =	vadd.f32 v3, v2;
	_ =	sdelay $0x1  }
0x2a: {  	v2 =	vadd.f32 v4, v2;
	_ =	sdelay $0x1  }
0x2b: {  	v2 =	vmax.f32 v2, $1.000000020e-24  }
0x2c: {  	v3 =	vshrl.u32 v2, $0x1;
	v4 =	vmul.f32 $5.000000000e-01, v2  }
0x2d: {  	v3 =	vsub.s32 $0x5F3759DF, v3  }
0x2e: {  	v6 =	vmul.f32 v3, v4;
	_ =	sdelay $0x1  }
0x2f: {  	v6 =	vmul.f32 v3, v6;
	_ =	sdelay $0x1  }
0x30: {  	v6 =	vsub.f32 $1.500000000e+00, v6;
	_ =	sdelay $0x1  }
0x31: {  	v3 =	vmul.f32 v3, v6;
	_ =	sdelay $0x1  }
0x32: {  	v6 =	vmul.f32 v3, v4;
	_ =	sdelay $0x1  }
0x33: {  	v6 =	vmul.f32 v6, v3;
	_ =	sdelay $0x1  }
0x34: {  	v6 =	vsub.f32 $1.500000000e+00, v6;
	_ =	sdelay $0x1  }
0x35: {  	v3 =	vmul.f32 v6, v3;
	_ =	sdelay $0x1  }
0x36: {  	v4 =	vmul.f32 v3, v4;
	_ =	sdelay $0x1  }
0x37: {  	v4 =	vmul.f32 v4, v3;
	_ =	sdelay $0x1  }
0x38: {  	v4 =	vsub.f32 $1.500000000e+00, v4;
	_ =	sdelay $0x1  }
0x39: {  	v3 =	vmul.f32 v4, v3;
	_ =	sdelay $0x1  }
0x3a: {  	v4 =	vmul.f32 v3, v2;
	_ =	sdelay $0x1  }
0x3b: {  	v2 =	vadd.f32 $9.999999970e-07, v4;
	_ =	sdelay $0x1  }
0x3c: {  	(erf) = vrcp.f32 v2  }
0x3d: {  	s19 =	simm.s32 $0x0  }
0x3e: {  	v2 =	vmov s19  }
0x3f: {  	v2 =	vshll.u32 v2, $0x2  }
0x40: {  	v7 =	vor.u32 v0, v2;
	_ =	sdelay $0x2  }
0x41: {  	v3 =	vor.u32 $0x1, v7  }
0x42: {  	v2 =	vor.u32 $0x2, v7  }
0x43: {  	s20 =	simm.s32 $0x10;
	[tilespmem:v7+s14+$0x0] =	vst.idx.msk $0xffff, v4;
	v4 =	vor.u32 $0x3, v7;
	v6 =	vpop (erf)  }
0x44: {  	s21 =	smov.u32 s16;
	s22 =	smov.u32 s17;
	s19 =	smul.u32 $0x50, s18;
	v7 =	vmul.f32 v6, v5;
	v5 =	vmul.f32 v6, v8  }
.LBB2_3:
0x45: {  	p0 =	sne.s32 s20, $0x40;
	v1 =	vmul.f32 v6, v1;
	s21 =	sadd.s32 $0x10, s21;
	s22 =	sadd.s32 $0x10, s22  }
0x46: {  	s23 =	smov.u32 s20;
	s20 =	sadd.s32 $0x10, s20;
	[tilespmem:v3+s14+$0x0] =	vst.idx.msk $0xffff, v7  }
0x47: {  	[tilespmem:v2+s14+$0x0] =	vst.idx.msk $0xffff, v5  }
0x48: {  	[tilespmem:v4+s14+$0x0] =	vst.idx.msk $0xffff, v1  }
0x49: {  	v1 =	vld [tilespmem:s21+$0x0]  }
0x4a: {  	v2 =	vld [tilespmem:s22+$0x0];
	_ =	sdelay $0x6  }
0x4b: {  	v3 =	vld.idx.msk [tilespmem:v1+s13+$0x0], $0xffff  }
0x4c: {  	v4 =	vld.idx.msk [tilespmem:v1+s3+$0x0], $0xffff  }
0x4d: {  	v1 =	vld.idx.msk [tilespmem:v1+s12+$0x0], $0xffff  }
0x4e: {  	v5 =	vld.idx.msk [tilespmem:v2+s3+$0x0], $0xffff  }
0x4f: {  	v6 =	vld.idx.msk [tilespmem:v2+s12+$0x0], $0xffff  }
0x50: {  	v2 =	vld.idx.msk [tilespmem:v2+s13+$0x0], $0xffff;
	_ =	sdelay $0x3  }
0x51: {  	v5 =	vsub.f32 v5, v4  }
0x52: {  	v8 =	vsub.f32 v6, v1  }
0x53: {  	v1 =	vsub.f32 v2, v3;
	v2 =	vmul.f32 v5, v5  }
0x54: {  	v3 =	vmul.f32 v8, v8  }
0x55: {  	v4 =	vmul.f32 v1, v1  }
0x56: {  	v2 =	vadd.f32 v3, v2;
	_ =	sdelay $0x1  }
0x57: {  	v2 =	vadd.f32 v4, v2;
	_ =	sdelay $0x1  }
0x58: {  	v2 =	vmax.f32 v2, $1.000000020e-24  }
0x59: {  	v3 =	vshrl.u32 v2, $0x1;
	v4 =	vmul.f32 $5.000000000e-01, v2  }
0x5a: {  	v3 =	vsub.s32 $0x5F3759DF, v3  }
0x5b: {  	v6 =	vmul.f32 v3, v4;
	_ =	sdelay $0x1  }
0x5c: {  	v6 =	vmul.f32 v3, v6;
	_ =	sdelay $0x1  }
0x5d: {  	v6 =	vsub.f32 $1.500000000e+00, v6;
	_ =	sdelay $0x1  }
0x5e: {  	v3 =	vmul.f32 v3, v6;
	_ =	sdelay $0x1  }
0x5f: {  	v6 =	vmul.f32 v3, v4;
	_ =	sdelay $0x1  }
0x60: {  	v6 =	vmul.f32 v6, v3;
	_ =	sdelay $0x1  }
0x61: {  	v6 =	vsub.f32 $1.500000000e+00, v6;
	_ =	sdelay $0x1  }
0x62: {  	v3 =	vmul.f32 v6, v3;
	_ =	sdelay $0x1  }
0x63: {  	v4 =	vmul.f32 v3, v4;
	_ =	sdelay $0x1  }
0x64: {  	v4 =	vmul.f32 v4, v3  }
0x65: {  	v6 =	vmov s23  }
0x66: {  	v6 =	vshll.u32 v6, $0x2;
	v4 =	vsub.f32 $1.500000000e+00, v4  }
0x67: {  	v6 =	vor.u32 v0, v6  }
0x68: {  	v3 =	vmul.f32 v4, v3;
	_ =	sdelay $0x1  }
0x69: {  	v2 =	vmul.f32 v3, v2;
	_ =	sdelay $0x1  }
0x6a: {  	v3 =	vadd.f32 $9.999999970e-07, v2;
	[tilespmem:v6+s14+$0x0] =	vst.idx.msk $0xffff, v2;
	_ =	sdelay $0x1  }
0x6b: {  	(erf) = vrcp.f32 v3;
	_ =	sdelay $0x5  }
.Ltmp0:
0x6c: {  	v3 =	vor.u32 $0x1, v6;
	(pc) =	sbr.rel @p0 .LBB2_3-.Ltmp0, $4  }
0x6d: {  	v2 =	vor.u32 $0x2, v6  }
0x6e: {  	v4 =	vor.u32 $0x3, v6  }
0x6f: {  	v6 =	vpop (erf)  }
0x70: {  	v7 =	vmul.f32 v6, v5;
	v5 =	vmul.f32 v6, v8  }
0x71: {  	_ =	sdelay $0x3  }
0x72: {  	v1 =	vmul.f32 v6, v1;
	s19 =	sadd.s32 s4, s19;
	s18 =	sadd.s32 $0x1, s18;
	[tilespmem:v3+s14+$0x0] =	vst.idx.msk $0xffff, v7  }
0x73: {  	s19 =	sshrl.u32 s19, $0x1;
	p0 =	sne.s32 s18, $0x7D;
	[tilespmem:v2+s14+$0x0] =	vst.idx.msk $0xffff, v5  }
.Ltmp1:
0x74: {  	s19 =	sadd.s32 s2, s19;
	[tilespmem:v4+s14+$0x0] =	vst.idx.msk $0xffff, v1;
	(pc) =	sbr.rel @p0 .LBB2_2-.Ltmp1, $4  }
0x75: {  	[hbm4b:s19+s3] =	stream.linear.scatter [tilespmem:s14], [sflag:$0x1], $0x140, $0x38;
	[tilespmem:$0xC700] =	vst v63  }
0x76: {  	_ =	swait.ge [sflag:s11], $0x140  }
0x77: {  	[sflag:s11] =	ssyncset.done $0x0  }
0x78: {  	s16 =	sadd.s32 $0x50, s16;
	s17 =	sadd.s32 $0x50, s17;
	[sflag:s11] =	ssyncadd.s32 $0xFFFFFEC0  }
0x79: {  	s15 =	sadd.s32 $0x1, s15  }
0x7a: {  	p0 =	sne.s32 s15, s10  }
.Ltmp2:
0x7b: {  	_ = 	snop;
	(pc) =	sbr.rel @p0 .LBB2_1-.Ltmp2, $1  }
0x7c: {  	_ =	sdelay $0x3  }
0x7d: {  	_ =	sfence.sel $0x180000  }
0x7e: {  	[bflag:$0x0] =	sbarrier.arrive $0xFFFF  }
0x7f: {  	p0 =	sne.s32 s0, $0x0;
	_ =	strace $0x90000047  }
0x80: {  	s0 =	sadd.s32 @!p0 $0x100000, s1;
	[bflag:$0x2] =	sbarrier.arrive $0xFFFF  }
0x81: {  	[sflag:s0] =	ssyncadd.tile.s32 @!p0 $0x1;
	_ =	shalt  }
.Lfunc_end2:
_tile_overlayer_lowered:
.L_overlay_start_2:
0x82: {  	(tag) =	ssettag $0x2  }
0x83: {  	s0 =	rddreg [dreg:$0x0];
	s2 =	stileid.u32  }
0x84: {  	s1 =	rddreg [dreg:$0x1];
	p0 =	sne.s32 s2, $0x0  }
0x85: {  	s3 =	rddreg [dreg:$0x2];
	[bflag:$0x3] =	sbarrier.arrive $0xFFFF;
	s2 =	simm.s32 @!p0 $0x1C01  }
0x86: {  	[timem:s3], [sflag:s2] =	dma.local @!p0 [hbm:s0], s1  }
0x87: {  	s0 =	simm.s32 @!p0 $0x1  }
0x88: {  	_ =	swait.ge @!p0 [sflag:s0], s1  }
0x89: {  	s1 =	ssub.s32 @!p0 $0x0, s1;
	[sflag:s0] =	ssyncset.done @!p0 $0x0  }
0x8a: {  	[sflag:s0] =	ssyncadd.s32 @!p0 s1  }
0x8b: {  	[bflag:$0x3] =	sbarrier.arrive $0xFFFF  }
0x8c: {  	_ =	shalt  }

// kernel: kernel.9.cloned.1.call-start
scs
__scs_entry_jumppad:
0x0: {  	(pc) =	sbr.rel $0x88, $3  }
0x1: {  	(tag) =	ssettag $0x0;
	lr =	simm.s32 $0x1  }
0x2: {  	[smem:$0x3F9A] =	sst lr;
	_ =	strace $0xD0000000  }
0x3: {  	_ = 	snop  }
0x4: {  	_ = 	snop  }
0x5: {  	_ = 	snop  }
0x6: {  	_ = 	snop  }
0x7: {  	_ = 	snop  }
__scs_overlays_trampoline_lowered:
0x8: {  	[smem:$0x3FA9] =	sst s0  }
0x9: {  	[smem:$0x3FAA] =	sst s1  }
0xa: {  	[smem:$0x3FAB] =	sst s2  }
0xb: {  	[smem:$0x3FAC] =	sst s3  }
0xc: {  	[smem:$0x3FAD] =	sst s4  }
0xd: {  	[smem:$0x3FAE] =	sst s5  }
0xe: {  	[smem:$0x3FAF] =	sst s6  }
0xf: {  	[smem:$0x3FB0] =	sst s7  }
0x10: {  	[smem:$0x3FB1] =	sst s8  }
0x11: {  	[smem:$0x3FB2] =	sst s9;
	s0 =	simm.s32 @!p0 $0x0  }
0x12: {  	s1 =	sld [smem:$0x3F98];
	s0 =	simm.s32 @p0 $0x1  }
0x13: {  	[smem:$0x3FB3] =	sst s0;
	s0 =	simm.s32 @!p1 $0x0  }
0x14: {  	s2 =	sld [smem:$0x3F97];
	s0 =	simm.s32 @p1 $0x1  }
0x15: {  	[smem:$0x3FB4] =	sst s0;
	s0 =	simm.s32 @!p2 $0x0  }
0x16: {  	s3 =	sld [smem:$0x3FDB];
	s0 =	simm.s32 @p2 $0x1  }
0x17: {  	s4 =	simm.s32 $0x1BF5;
	[smem:$0x3FB6] =	sst s0  }
0x18: {  	s0 =	sld [smem:$0x3F99];
	_ =	swait.ge [sflag:s4], $0x0  }
0x19: {  	s7 =	sld [smem:$0x3F9A]  }
0x1a: {  	s8 =	sadd.s32 $0xFFFFE003, lr  }
0x1b: {  	s9 =	sadd.s32 $0xFFFFFEF7, lr;
	s5 =	simm.s32 $0xFFFFFFFF;
	p2 =	slt.u32 s8, $0xFFFFF086  }
0x1c: {  	p1 =	slt.u32 s9, $0xF7A;
	s5 =	simm.s32 @!p2 $0x0  }
0x1d: {  	s5 =	simm.s32 @p1 $0x1;
	p0 =	seq.s32 s7, s2  }
0x1e: {  	s7 =	smul.u32 @!p0 $0xF7A, s2;
	p2 =	seq.s32 @!p0 s5, $0x0  }
0x1f: {  	s9 =	smul.u32 $0xF7A, s1;
	s8 =	simm.s32 @!p0 $0x1BF5;
	p2 =	por !p2, p0  }
0x20: {  	[sflag:s8] =	ssyncset.s32 @!p0 $0xFFFFF086;
	s6 =	sadd.s32 @!p0 s3, s7;
	s7 =	simm.s32 @!p0 $0x108  }
0x21: {  	s3 =	sadd.s32 s3, s9;
	s6 =	sadd.s32 @!p0 $0x88, s6;
	s7 =	simm.s32 @p2 $0x1082  }
0x22: {  	[simem:s7], [sflag:s8] =	dma.local @!p0 [hbm:s6], $0xF7A  }
0x23: {  	s9 =	sor.u32 $0xD0000000, s2;
	s6 =	simm.s32 $0x108;
	_ =	swait.ge @!p0 [sflag:s8], $0x0  }
0x24: {  	s3 =	sadd.s32 $0x88, s3;
	s6 =	simm.s32 @!p1 $0x1082;
	[sflag:s4] =	ssyncset.s32 $0xFFFFF086  }
0x25: {  	[simem:s6], [sflag:s4] =	dma.local [hbm:s3], $0xF7A  }
0x26: {  	[smem:$0x3F9A] =	sst s1;
	(tag) =	ssettag s2;
	_ =	strace s9  }
0x27: {  	s1 =	sld [smem:$0x3FAA]  }
0x28: {  	s2 =	sld [smem:$0x3FAB]  }
0x29: {  	s4 =	sld [smem:$0x3FAD]  }
0x2a: {  	p0 =	seq.s32 s5, $0x0;
	s5 =	sld [smem:$0x3FAE]  }
0x2b: {  	s6 =	sld [smem:$0x3FAF]  }
0x2c: {  	s7 =	sld [smem:$0x3FB0]  }
0x2d: {  	s3 =	simm.s32 $0x108;
	s8 =	sld [smem:$0x3FB1]  }
0x2e: {  	s3 =	simm.s32 @!p0 $0x1082;
	s9 =	sld [smem:$0x3FB2]  }
0x2f: {  	lr =	sadd.s32 s0, s3;
	s0 =	sld [smem:$0x3FA9]  }
0x30: {  	s3 =	sld [smem:$0x3FAC]  }
0x31: {  	[smem:$0x3FB5] =	sst s10  }
0x32: {  	s10 =	sld [smem:$0x3FB3];
	_ =	sdelay $0x3  }
0x33: {  	p0 =	seq.s32 s10, $0x1;
	s10 =	sld [smem:$0x3FB5];
	_ =	sdelay $0x3  }
0x34: {  	[smem:$0x3FB5] =	sst s10  }
0x35: {  	s10 =	sld [smem:$0x3FB4];
	_ =	sdelay $0x3  }
0x36: {  	p1 =	seq.s32 s10, $0x1;
	s10 =	sld [smem:$0x3FB5];
	_ =	sdelay $0x3  }
0x37: {  	[smem:$0x3FB5] =	sst s10  }
0x38: {  	s10 =	sld [smem:$0x3FB6]  }
0x39: {  	_ = 	snop;
	(pc) =	sbr.ind lr, $3  }
0x3a: {  	_ = 	snop  }
0x3b: {  	_ = 	snop  }
0x3c: {  	p2 =	seq.s32 s10, $0x1;
	s10 =	sld [smem:$0x3FB5]  }
0x3d: {  	_ =	shalt  }
0x3e: {  	_ =	shalt  }
0x3f: {  	_ =	shalt  }
0x40: {  	_ =	shalt  }
0x41: {  	_ =	shalt  }
0x42: {  	_ =	shalt  }
0x43: {  	_ =	shalt  }
0x44: {  	_ =	shalt  }
0x45: {  	_ =	shalt  }
0x46: {  	_ =	shalt  }
0x47: {  	_ =	shalt  }
0x48: {  	_ =	shalt  }
0x49: {  	_ =	shalt  }
0x4a: {  	_ =	shalt  }
0x4b: {  	_ =	shalt  }
0x4c: {  	_ =	shalt  }
0x4d: {  	_ =	shalt  }
0x4e: {  	_ =	shalt  }
0x4f: {  	_ =	shalt  }
0x50: {  	_ =	shalt  }
0x51: {  	_ =	shalt  }
0x52: {  	_ =	shalt  }
0x53: {  	_ =	shalt  }
0x54: {  	_ =	shalt  }
0x55: {  	_ =	shalt  }
0x56: {  	_ =	shalt  }
0x57: {  	_ =	shalt  }
0x58: {  	_ =	shalt  }
0x59: {  	_ =	shalt  }
0x5a: {  	_ =	shalt  }
0x5b: {  	_ =	shalt  }
0x5c: {  	_ =	shalt  }
0x5d: {  	_ =	shalt  }
0x5e: {  	_ =	shalt  }
0x5f: {  	_ =	shalt  }
0x60: {  	_ =	shalt  }
0x61: {  	_ =	shalt  }
0x62: {  	_ =	shalt  }
0x63: {  	_ =	shalt  }
0x64: {  	_ =	shalt  }
0x65: {  	_ =	shalt  }
0x66: {  	_ =	shalt  }
0x67: {  	_ =	shalt  }
0x68: {  	_ =	shalt  }
0x69: {  	_ =	shalt  }
0x6a: {  	_ =	shalt  }
0x6b: {  	_ =	shalt  }
0x6c: {  	_ =	shalt  }
0x6d: {  	_ =	shalt  }
0x6e: {  	_ =	shalt  }
0x6f: {  	_ =	shalt  }
0x70: {  	_ =	shalt  }
0x71: {  	_ =	shalt  }
0x72: {  	_ =	shalt  }
0x73: {  	_ =	shalt  }
0x74: {  	_ =	shalt  }
0x75: {  	_ =	shalt  }
0x76: {  	_ =	shalt  }
0x77: {  	_ =	shalt  }
0x78: {  	_ =	shalt  }
0x79: {  	_ =	shalt  }
0x7a: {  	_ =	shalt  }
0x7b: {  	_ =	shalt  }
0x7c: {  	_ =	shalt  }
0x7d: {  	_ =	shalt  }
0x7e: {  	_ =	shalt  }
0x7f: {  	_ =	shalt  }
0x80: {  	_ =	shalt  }
0x81: {  	_ =	shalt  }
0x82: {  	_ =	shalt  }
0x83: {  	_ =	shalt  }
0x84: {  	_ =	shalt  }
0x85: {  	_ =	shalt  }
0x86: {  	_ =	shalt  }
0x87: {  	_ =	shalt  }
.Lfunc_end0:
.L_simem_size_0:
called_computation.1_lowered:
.L_overlay_start_0:
0x88: {  	s2 =	sld [smem:$0x3FD9]  }
0x89: {  	s3 =	sld [smem:$0x3FFE];
	_ =	sdelay $0x1  }
0x8a: {  	s1 =	srdreg.scid  }
0x8b: {  	s0 =	sand.u32 $0x1, s1  }
0x8c: {  	s17 =	sshll.u32 s0, $0xA;
	s2 =	sadd.s32 s3, s2  }
0x8d: {  	s2 =	sadd.s32 s2, s17  }
0x8e: {  	[smem:$0x3FC1] =	sst s2  }
0x8f: {  	_ = 	snop  }
0x90: {  	s2 =	sld [smem:$0x3FC9]  }
0x91: {  	s18 =	sld [smem:$0x3FD0];
	(tm) =	ssettm $0x1  }
0x92: {  	s4 =	sld [smem:$0x3FFB];
	_ =	sdelay $0x3  }
0x93: {  	_ =	strace s4  }
0x94: {  	s4 =	sld [smem:$0x3FFC];
	_ =	sdelay $0x3  }
0x95: {  	_ =	strace s4  }
0x96: {  	s4 =	sld [smem:$0x3FFD];
	_ =	sdelay $0x3  }
0x97: {  	_ =	strace s4  }
0x98: {  	_ =	strace $0x8FFFFFFF  }
0x99: {  	s19 =	sld [smem:$0x3FDB];
	_ =	sdelay $0x1  }
0x9a: {  	s5 =	simm.s32 $_scs_section_size  }
0x9b: {  	s6 =	simm.s32 $_size__tile_overlayer_lowered;
	s7 =	simm.s32 $_tile_overlayer_lowered  }
0x9c: {  	s22 =	simm.s32 $0x1BFF;
	s21 =	sshll.u32 s7, $0x1;
	s4 =	sadd.s32 s5, s19  }
0x9d: {  	s8 =	simm.s32 $0x0;
	s20 =	sshll.u32 s6, $0x1;
	s6 =	sadd.s32 s21, s4  }
0x9e: {  	[timem:s8], [sflag:s22] =	dma.local [hbm:s6], s20  }
0x9f: {  	_ =	swait.ge [sflag:s22], s20  }
0xa0: {  	s5 =	ssub.s32 $0x0, s20;
	[sflag:s22] =	ssyncset.done $0x0  }
0xa1: {  	[sflag:s22] =	ssyncadd.s32 s5;
	_ =	sdelay $0x1  }
0xa2: {  	s23 =	simm.s32 $0x1B8B  }
0xa3: {  	_ =	swait.ge [sflag:s23], $0x1  }
0xa4: {  	[sflag:s23] =	ssyncset.done $0x0  }
0xa5: {  	s25 =	simm.s32 $0x1B8E;
	s24 =	sld [smem:$0x3FFE];
	[sflag:s23] =	ssyncadd.s32 $0xFFFFFFFF  }
0xa6: {  	s26 =	simm.s32 $execute0_lowered;
	[smem:$0x3FD2] =	sst s25  }
0xa7: {  	s6 =	sshll.u32 s26, $0x1;
	_ =	strace $0x80000049;
	[dreg:$0x1] =	wrdreg $0xFFFFFFFF  }
0xa8: {  	s28 =	simm.s32 $_size_execute0_lowered;
	s4 =	sadd.s32 s4, s6;
	[dreg:$0x0] =	wrdreg $0x0  }
0xa9: {  	s6 =	sshll.u32 s28, $0x1;
	[dreg:$0x2] =	wrdreg s4  }
0xaa: {  	[dreg:$0x3] =	wrdreg s6  }
0xab: {  	[dreg:$0x4] =	wrdreg $0xC0  }
0xac: {  	_ =	task [dreg:s8], $0x5FFFF  }
0xad: {  	[dreg:$0x1] =	wrdreg $0xFFFFFFFF  }
0xae: {  	[dreg:$0x0] =	wrdreg $0x60  }
0xaf: {  	[dreg:$0x2] =	wrdreg s2  }
0xb0: {  	[dreg:$0x3] =	wrdreg s24  }
0xb1: {  	[dreg:$0x4] =	wrdreg s18  }
0xb2: {  	[dreg:$0x5] =	wrdreg $0xA2000  }
0xb3: {  	[dreg:$0x6] =	wrdreg $0x9  }
0xb4: {  	_ =	task.clear_ibuf [dreg:s8], $0x7FFFF;
	_ =	strace $0x90000049  }
0xb5: {  	s29 =	simm.s32 $0x9;
	_ =	strace $0x8000004B  }
0xb6: {  	_ =	swait.ge [sflag:s29], $0x1  }
0xb7: {  	[sflag:s29] =	ssyncadd.s32 $0xFFFFFFFF  }
0xb8: {  	_ =	strace $0x9000004B  }
0xb9: {  	_ =	sfence  }
0xba: {  	s30 =	sld [smem:$0x0];
	_ =	sdelay $0x2  }
0xbb: {  	s31 =	sshll.u32 s1, $0xD;
	s1 =	sshrl.u32 s1, $0x2  }
0xbc: {  	s3 =	sand.u32 $0x4000, s31;
	s1 =	sadd.s32 s1, s30  }
0xbd: {  	s0 =	sor.u32 s3, s0;
	s1 =	sshll.u32 s1, $0x11  }
0xbe: {  	s0 =	sor.u32 s1, s0  }
0xbf: {  	s0 =	sadd.s32 $0x8F2B, s0  }
0xc0: {  	[sflag:s0] =	ssyncadd.remote.s32 $0x1  }
0xc1: {  	_ =	sfence.sel $0xFFFF  }
0xc2: {  	[dreg:$0x0] =	wrdreg $0xFFFFFFFF;
	(pc) =	sbr.abs _section_cstart, $3  }
0xc3: {  	[dreg:$0x1] =	wrdreg $0xFFFFFFFF  }
0xc4: {  	_ =	task.clear_ibuf [dreg:s8], $0x2FFFF;
	_ =	strace $0x9FFFFFFF  }
0xc5: {  	(tm) =	ssettm $0x7FFFFFFF  }
tec
execute0_lowered:
.L_overlay_start_1:
0x0: {  	(tag) =	ssettag $0x1  }
0x1: {  	s1 =	rddreg [dreg:$0x0]  }
0x2: {  	s2 =	rddreg [dreg:$0x1]  }
0x3: {  	s4 =	rddreg [dreg:$0x3]  }
0x4: {  	s5 =	simm.s32 $0x0;
	s0 =	srdreg.scid;
	s17 =	stileid.u32  }
0x5: {  	s19 =	simm.s32 $0x7;
	s28 =	simm.s32 $0x5200;
	s29 =	simm.s32 $0x7A00  }
0x6: {  	s30 =	simm.s32 $0x1;
	s31 =	simm.s32 $0x2;
	[smem:$0x7FF] =	sst s5  }
0x7: {  	s0 =	sand.u32 $0x1, s0;
	s7 =	sadd.s32 $0x4F5C00, s2;
	s9 =	smul.u32 $0x4E000, s17  }
0x8: {  	s8 =	sadd.s32 $0x9E00, s2;
	s11 =	smul.u32 $0x2710, s17;
	s12 =	sadd.s32 $0x13C00, s2  }
0x9: {  	s23 =	sshll.u32 s17, $0x6;
	s14 =	sadd.s32 $0x138000, s4;
	s16 =	smul.u32 $0x13800, s17  }
0xa: {  	p0 =	sne.s32 s17, $0xF;
	s3 =	smul.u32 $0x27100, s0;
	s6 =	ssub.s32 $0x2, s0  }
0xb: {  	_ =	strace $0x8000004A;
	s0 =	smul.u32 $0x138800, s0;
	s10 =	sshrl.u32 s6, $0x1  }
0xc: {  	s21 =	sshrl.u32 s9, $0x2;
	s6 =	ssub.s32 s6, s10;
	s9 =	sadd.s32 s11, s3  }
0xd: {  	s22 =	sadd.s32 s21, s4;
	s10 =	sor.u32 $0x1C07, s23;
	s24 =	sadd.s32 s16, s0  }
0xe: {  	s0 =	sshrl.u32 s0, $0x3;
	s16 =	sshrl.u32 @!p0 s14, $0x3;
	s21 =	simm.s32 $0x80  }
0xf: {  	s23 =	simm.s32 $0x100;
	s3 =	simm.s32 $0x4;
	s13 =	sadd.s32 $0x26C0, s9  }
0x10: {  	s11 =	sadd.s32 $0x50, s9;
	s25 =	sshrl.u32 s24, $0x3;
	s0 =	sadd.s32 s12, s0  }
0x11: {  	s26 =	smax.u32 s6, $0x1;
	s24 =	simm.s32 $0x2900;
	[dreg:$0xb] =	wrdreg s16  }
0x12: {  	s6 =	simm.s32 $0x3;
	s12 =	sadd.s32 s12, s25;
	[dreg:$0xa] =	wrdreg s26  }
0x13: {  	s15 =	sshrl.u32 s13, $0x3;
	s0 =	sadd.s32 $0x27000, s0;
	[dreg:$0x8] =	wrdreg s12  }
0x14: {  	s13 =	sshll.u32 s13, $0x4;
	s18 =	sadd.s32 s8, s15;
	[dreg:$0x9] =	wrdreg s0  }
0x15: {  	s25 =	simm.s32 $0x5100;
	s15 =	sadd.s32 s2, s15;
	[dreg:$0x5] =	wrdreg s18  }
0x16: {  	s26 =	simm.s32 $0x5180;
	s13 =	sadd.s32 s7, s13;
	[dreg:$0x6] =	wrdreg s15  }
0x17: {  	s0 =	simm.s32 $0x5;
	s12 =	simm.s32 $0x6;
	[dreg:$0x7] =	wrdreg s13  }
0x18: {  	s15 =	sshrl.u32 s22, $0x3;
	s22 =	simm.s32 $0x50;
	s18 =	simm.s32 $0x0  }
.LBB2_1:
0x19: {  	s13 =	rddreg [dreg:$0x2]  }
0x1a: {  	[spmem:s15], [sflag:s10] =	dma.local [hbm:s13], $0x2700  }
0x1b: {  	_ =	swait.ge [sflag:s19], $0x2700  }
0x1c: {  	[sflag:s19] =	ssyncset.done $0x0  }
0x1d: {  	[sflag:s19] =	ssyncadd.s32 $0xFFFFD900  }
0x1e: {  	[spmem:s16], [sflag:s10] =	dma.local @!p0 [hbm:s13], $0x100  }
0x1f: {  	s13 =	simm.s32 @!p0 $0x7  }
0x20: {  	_ =	swait.ge @!p0 [sflag:s13], $0x100  }
0x21: {  	[sflag:s13] =	ssyncset.done @!p0 $0x0  }
0x22: {  	[sflag:s13] =	ssyncadd.s32 @!p0 $0xFFFFFF00  }
0x23: {  	s20 =	smov.u32 s15;
	s13 =	simm.s32 $0x0;
	[bflag:$0x0] =	sbarrier.arrive $0xFFFF  }
.LBB2_2:
0x24: {  	s14 =	smul.u32 $0xA0, s13;
	_ =	sdelay $0x1  }
0x25: {  	s15 =	sadd.s32 s9, s14  }
0x26: {  	s16 =	sshrl.u32 s15, $0x3  }
0x27: {  	s17 =	sadd.s32 s8, s16  }
0x28: {  	[tilespmem:s18], [sflag:$0x7] =	stream.linear.gather [hbm4b:s17+s18], $0x50, $0x38;
	[tilespmem:$0x1DA80] =	vst v63  }
0x29: {  	_ =	swait.ge [sflag:s19], $0x50  }
0x2a: {  	[sflag:s19] =	ssyncset.done $0x0  }
0x2b: {  	s16 =	sadd.s32 s2, s16;
	[sflag:s19] =	ssyncadd.s32 $0xFFFFFFB0  }
0x2c: {  	[tilespmem:s21], [sflag:$0x5] =	stream.linear.gather [hbm4b:s16+s18], $0x50, $0x38;
	[tilespmem:$0x1DA80] =	vst v63  }
0x2d: {  	s15 =	sshll.u32 s15, $0x4  }
0x2e: {  	[tilespmem:s23], [sflag:$0x1] =	stream.indirect.gather [hbm4b:s1+s22], $0x80, s18, s22, $0xb8;
	[tilespmem:$0x1DA80] =	vst v63  }
0x2f: {  	s14 =	sadd.s32 s14, s11;
	s15 =	sadd.s32 s7, s15  }
0x30: {  	[tilespmem:s24], [sflag:$0x2] =	stream.linear.gather [hbm4b:s15+s18], $0x2800, $0x38;
	[tilespmem:$0x1DA80] =	vst v63  }
0x31: {  	s15 =	sshrl.u32 s14, $0x3  }
0x32: {  	s17 =	sadd.s32 s8, s15  }
0x33: {  	[tilespmem:s25], [sflag:$0x7] =	stream.linear.gather [hbm4b:s17+s18], $0x50, $0x38;
	[tilespmem:$0x1DA80] =	vst v63  }
0x34: {  	_ =	swait.ge [sflag:s19], $0x50  }
0x35: {  	[sflag:s19] =	ssyncset.done $0x0  }
0x36: {  	s15 =	sadd.s32 s2, s15;
	[sflag:s19] =	ssyncadd.s32 $0xFFFFFFB0  }
0x37: {  	[tilespmem:s26], [sflag:$0x6] =	stream.linear.gather [hbm4b:s15+s18], $0x50, $0x38;
	[tilespmem:$0x1DA80] =	vst v63  }
0x38: {  	s14 =	sshll.u32 s14, $0x4  }
0x39: {  	[tilespmem:s28], [sflag:$0x3] =	stream.indirect.gather [hbm4b:s1+s22], $0x80, s25, s22, $0xb8;
	[tilespmem:$0x1DA80] =	vst v63  }
0x3a: {  	s14 =	sadd.s32 s7, s14  }
0x3b: {  	[tilespmem:s29], [sflag:$0x4] =	stream.linear.gather [hbm4b:s14+s18], $0x2800, $0x38;
	[tilespmem:$0x1DA80] =	vst v63  }
0x3c: {  	_ =	swait.ge [sflag:s30], $0x2800  }
0x3d: {  	[sflag:s30] =	ssyncset.done $0x0  }
0x3e: {  	[sflag:s30] =	ssyncadd.s32 $0xFFFFD800  }
0x3f: {  	_ =	swait.ge [sflag:s31], $0x2800  }
0x40: {  	[sflag:s31] =	ssyncset.done $0x0  }
0x41: {  	s14 =	simm.s32 $0x0;
	[sflag:s31] =	ssyncadd.s32 $0xFFFFD800  }
0x42: {  	v7 =	vld [tilespmem:s14+$0x2900]  }
0x43: {  	v11 =	vld [tilespmem:s14+$0x2910]  }
0x44: {  	v5 =	vld [tilespmem:s14+$0x2920]  }
0x45: {  	v4 =	vld [tilespmem:s14+$0x2930]  }
0x46: {  	v3 =	vld [tilespmem:s14+$0x2940]  }
0x47: {  	v2 =	vld [tilespmem:s14+$0x2950]  }
0x48: {  	v1 =	vld [tilespmem:s14+$0x2960]  }
0x49: {  	v0 =	vld [tilespmem:s14+$0x2970]  }
0x4a: {  	v12 =	vld [tilespmem:s14+$0x100]  }
0x4b: {  	v13 =	vld [tilespmem:s14+$0x110]  }
0x4c: {  	v10 =	vld [tilespmem:s14+$0x120]  }
0x4d: {  	v9 =	vld [tilespmem:s14+$0x130]  }
0x4e: {  	v8 =	vld [tilespmem:s14+$0x140]  }
0x4f: {  	v6 =	vld [tilespmem:s14+$0x150];
	v12 =	vmul.f32 v7, v12  }
0x50: {  	s15 =	simm.s32 $0x200;
	v11 =	vmul.f32 v11, v13;
	v7 =	vld [tilespmem:s14+$0x160]  }
.LBB2_3:
0x51: {  	s16 =	sshra.s32 s15, $0x2;
	p1 =	sne.s32 s15, $0x9E00;
	[tilespmem:s14+$0x100] =	vst v12;
	v5 =	vmul.f32 v5, v10;
	v10 =	vld [tilespmem:s14+$0x170]  }
0x52: {  	v12 =	vld [tilespmem:s16+$0x2900];
	[tilespmem:s14+$0x110] =	vst v11;
	v4 =	vmul.f32 v4, v9  }
0x53: {  	v11 =	vld [tilespmem:s16+$0x2910];
	[tilespmem:s14+$0x120] =	vst v5;
	v3 =	vmul.f32 v3, v8  }
0x54: {  	v5 =	vld [tilespmem:s16+$0x2920];
	[tilespmem:s14+$0x130] =	vst v4;
	v2 =	vmul.f32 v2, v6  }
0x55: {  	v4 =	vld [tilespmem:s16+$0x2930];
	[tilespmem:s14+$0x140] =	vst v3;
	v1 =	vmul.f32 v1, v7  }
0x56: {  	v3 =	vld [tilespmem:s16+$0x2940];
	[tilespmem:s14+$0x150] =	vst v2;
	v0 =	vmul.f32 v0, v10  }
0x57: {  	v2 =	vld [tilespmem:s16+$0x2950];
	[tilespmem:s14+$0x160] =	vst v1  }
0x58: {  	v1 =	vld [tilespmem:s16+$0x2960];
	[tilespmem:s14+$0x170] =	vst v0;
	s14 =	smov.u32 s16  }
0x59: {  	v0 =	vld [tilespmem:s14+$0x2970]  }
0x5a: {  	v6 =	vld [tilespmem:s14+$0x100]  }
0x5b: {  	v7 =	vld [tilespmem:s14+$0x110]  }
.Ltmp0:
0x5c: {  	v10 =	vld [tilespmem:s14+$0x120];
	(pc) =	sbr.rel @p1 .LBB2_3-.Ltmp0, $4  }
0x5d: {  	v9 =	vld [tilespmem:s14+$0x130]  }
0x5e: {  	v8 =	vld [tilespmem:s14+$0x140]  }
0x5f: {  	v12 =	vmul.f32 v12, v6;
	v6 =	vld [tilespmem:s14+$0x150]  }
0x60: {  	s15 =	sadd.s32 $0x200, s15;
	v11 =	vmul.f32 v11, v7;
	v7 =	vld [tilespmem:s14+$0x160]  }
0x61: {  	[tilespmem:s14+$0x100] =	vst v12;
	v5 =	vmul.f32 v5, v10;
	v10 =	vld [tilespmem:s14+$0x170]  }
0x62: {  	[tilespmem:s14+$0x110] =	vst v11;
	v4 =	vmul.f32 v4, v9  }
0x63: {  	[tilespmem:s14+$0x120] =	vst v5;
	v3 =	vmul.f32 v3, v8  }
0x64: {  	[tilespmem:s14+$0x130] =	vst v4;
	v2 =	vmul.f32 v2, v6  }
0x65: {  	[tilespmem:s14+$0x140] =	vst v3;
	v1 =	vmul.f32 v1, v7  }
0x66: {  	[tilespmem:s14+$0x150] =	vst v2;
	v0 =	vmul.f32 v0, v10  }
0x67: {  	[tilespmem:s14+$0x160] =	vst v1  }
0x68: {  	[tilespmem:s14+$0x170] =	vst v0  }
0x69: {  	_ =	swait.ge [sflag:s0], $0x50  }
0x6a: {  	[sflag:s0] =	ssyncset.done $0x0  }
0x6b: {  	[sflag:s0] =	ssyncadd.s32 $0xFFFFFFB0  }
0x6c: {  	[spmem:s4] =	stream.indirect.scatter.add.f32 [tilespmem:s23], [sflag:$0x7], $0x80, s21, s22, $0xb8;
	[tilespmem:$0x1DA80] =	vst v63  }
0x6d: {  	_ =	swait.ge [sflag:s19], $0x2800  }
0x6e: {  	[sflag:s19] =	ssyncset.done $0x0  }
0x6f: {  	[sflag:s19] =	ssyncadd.s32 $0xFFFFD800  }
0x70: {  	_ =	swait.ge [sflag:s6], $0x2800  }
0x71: {  	[sflag:s6] =	ssyncset.done $0x0  }
0x72: {  	[sflag:s6] =	ssyncadd.s32 $0xFFFFD800  }
0x73: {  	_ =	swait.ge [sflag:s3], $0x2800  }
0x74: {  	[sflag:s3] =	ssyncset.done $0x0  }
0x75: {  	s14 =	simm.s32 $0x0;
	[sflag:s3] =	ssyncadd.s32 $0xFFFFD800  }
0x76: {  	v7 =	vld [tilespmem:s14+$0x7A00]  }
0x77: {  	v11 =	vld [tilespmem:s14+$0x7A10]  }
0x78: {  	v5 =	vld [tilespmem:s14+$0x7A20]  }
0x79: {  	v4 =	vld [tilespmem:s14+$0x7A30]  }
0x7a: {  	v3 =	vld [tilespmem:s14+$0x7A40]  }
0x7b: {  	v2 =	vld [tilespmem:s14+$0x7A50]  }
0x7c: {  	v1 =	vld [tilespmem:s14+$0x7A60]  }
0x7d: {  	v0 =	vld [tilespmem:s14+$0x7A70]  }
0x7e: {  	v12 =	vld [tilespmem:s14+$0x5200]  }
0x7f: {  	v13 =	vld [tilespmem:s14+$0x5210]  }
0x80: {  	v10 =	vld [tilespmem:s14+$0x5220]  }
0x81: {  	v9 =	vld [tilespmem:s14+$0x5230]  }
0x82: {  	v8 =	vld [tilespmem:s14+$0x5240]  }
0x83: {  	v6 =	vld [tilespmem:s14+$0x5250];
	v12 =	vmul.f32 v7, v12  }
0x84: {  	s15 =	simm.s32 $0x200;
	v11 =	vmul.f32 v11, v13;
	v7 =	vld [tilespmem:s14+$0x5260]  }
.LBB2_5:
0x85: {  	s16 =	sshra.s32 s15, $0x2;
	p1 =	sne.s32 s15, $0x9E00;
	[tilespmem:s14+$0x5200] =	vst v12;
	v5 =	vmul.f32 v5, v10;
	v10 =	vld [tilespmem:s14+$0x5270]  }
0x86: {  	v12 =	vld [tilespmem:s16+$0x7A00];
	[tilespmem:s14+$0x5210] =	vst v11;
	v4 =	vmul.f32 v4, v9  }
0x87: {  	v11 =	vld [tilespmem:s16+$0x7A10];
	[tilespmem:s14+$0x5220] =	vst v5;
	v3 =	vmul.f32 v3, v8  }
0x88: {  	v5 =	vld [tilespmem:s16+$0x7A20];
	[tilespmem:s14+$0x5230] =	vst v4;
	v2 =	vmul.f32 v2, v6  }
0x89: {  	v4 =	vld [tilespmem:s16+$0x7A30];
	[tilespmem:s14+$0x5240] =	vst v3;
	v1 =	vmul.f32 v1, v7  }
0x8a: {  	v3 =	vld [tilespmem:s16+$0x7A40];
	[tilespmem:s14+$0x5250] =	vst v2;
	v0 =	vmul.f32 v0, v10  }
0x8b: {  	v2 =	vld [tilespmem:s16+$0x7A50];
	[tilespmem:s14+$0x5260] =	vst v1  }
0x8c: {  	v1 =	vld [tilespmem:s16+$0x7A60];
	[tilespmem:s14+$0x5270] =	vst v0;
	s14 =	smov.u32 s16  }
0x8d: {  	v0 =	vld [tilespmem:s14+$0x7A70]  }
0x8e: {  	v6 =	vld [tilespmem:s14+$0x5200]  }
0x8f: {  	v7 =	vld [tilespmem:s14+$0x5210]  }
.Ltmp1:
0x90: {  	v10 =	vld [tilespmem:s14+$0x5220];
	(pc) =	sbr.rel @p1 .LBB2_5-.Ltmp1, $4  }
0x91: {  	v9 =	vld [tilespmem:s14+$0x5230]  }
0x92: {  	v8 =	vld [tilespmem:s14+$0x5240]  }
0x93: {  	v12 =	vmul.f32 v12, v6;
	v6 =	vld [tilespmem:s14+$0x5250]  }
0x94: {  	s15 =	sadd.s32 $0x200, s15;
	v11 =	vmul.f32 v11, v7;
	v7 =	vld [tilespmem:s14+$0x5260]  }
0x95: {  	[tilespmem:s14+$0x5200] =	vst v12;
	v5 =	vmul.f32 v5, v10;
	v63 =	vld [tilespmem:s14+$0x5270]  }
0x96: {  	[tilespmem:s14+$0x5210] =	vst v11;
	v4 =	vmul.f32 v4, v9  }
0x97: {  	[tilespmem:s14+$0x5220] =	vst v5;
	v3 =	vmul.f32 v3, v8  }
0x98: {  	[tilespmem:s14+$0x5230] =	vst v4;
	v2 =	vmul.f32 v2, v6  }
0x99: {  	[tilespmem:s14+$0x5240] =	vst v3;
	v1 =	vmul.f32 v1, v7  }
0x9a: {  	[tilespmem:s14+$0x5250] =	vst v2;
	v0 =	vmul.f32 v0, v63  }
0x9b: {  	[tilespmem:s14+$0x5260] =	vst v1  }
0x9c: {  	[tilespmem:s14+$0x5270] =	vst v0  }
0x9d: {  	s13 =	sadd.s32 $0x1, s13;
	_ =	swait.ge [sflag:s12], $0x50  }
0x9e: {  	p1 =	sne.s32 s13, $0x3E;
	[sflag:s12] =	ssyncset.done $0x0  }
.Ltmp2:
0x9f: {  	[sflag:s12] =	ssyncadd.s32 $0xFFFFFFB0;
	(pc) =	sbr.rel @p1 .LBB2_2-.Ltmp2, $4  }
0xa0: {  	[spmem:s4] =	stream.indirect.scatter.add.f32 [tilespmem:s28], [sflag:$0x7], $0x80, s26, s22, $0xb8;
	[tilespmem:$0x1DA80] =	vst v63  }
0xa1: {  	_ =	swait.ge [sflag:s19], $0x2800  }
0xa2: {  	[sflag:s19] =	ssyncset.done $0x0  }
0xa3: {  	[sflag:s19] =	ssyncadd.s32 $0xFFFFD800  }
0xa4: {  	s13 =	simm.s32 $0x0;
	s14 =	rddreg [dreg:$0x5]  }
0xa5: {  	[tilespmem:s13], [sflag:$0x7] =	stream.linear.gather [hbm4b:s14+s13], $0x50, $0x38;
	[tilespmem:$0x1DA80] =	vst v63  }
0xa6: {  	_ =	swait.ge [sflag:s19], $0x50  }
0xa7: {  	[sflag:s19] =	ssyncset.done $0x0  }
0xa8: {  	s16 =	rddreg [dreg:$0x6];
	[sflag:s19] =	ssyncadd.s32 $0xFFFFFFB0  }
0xa9: {  	[tilespmem:s21], [sflag:$0x5] =	stream.linear.gather [hbm4b:s16+s13], $0x50, $0x38;
	[tilespmem:$0x1DA80] =	vst v63  }
0xaa: {  	_ = 	snop  }
0xab: {  	[tilespmem:s23], [sflag:$0x1] =	stream.indirect.gather [hbm4b:s1+s22], $0x80, s13, s22, $0xb8;
	[tilespmem:$0x1DA80] =	vst v63  }
0xac: {  	s17 =	rddreg [dreg:$0x7]  }
0xad: {  	[tilespmem:s24], [sflag:$0x2] =	stream.linear.gather [hbm4b:s17+s13], $0x2800, $0x38;
	[tilespmem:$0x1DA80] =	vst v63  }
0xae: {  	_ =	swait.ge [sflag:s30], $0x2800  }
0xaf: {  	[sflag:s30] =	ssyncset.done $0x0  }
0xb0: {  	[sflag:s30] =	ssyncadd.s32 $0xFFFFD800  }
0xb1: {  	_ =	swait.ge [sflag:s31], $0x2800  }
0xb2: {  	[sflag:s31] =	ssyncset.done $0x0  }
0xb3: {  	s13 =	simm.s32 $0x0;
	[sflag:s31] =	ssyncadd.s32 $0xFFFFD800  }
0xb4: {  	v7 =	vld [tilespmem:s13+$0x2900]  }
0xb5: {  	v11 =	vld [tilespmem:s13+$0x2910]  }
0xb6: {  	v5 =	vld [tilespmem:s13+$0x2920]  }
0xb7: {  	v4 =	vld [tilespmem:s13+$0x2930]  }
0xb8: {  	v3 =	vld [tilespmem:s13+$0x2940]  }
0xb9: {  	v2 =	vld [tilespmem:s13+$0x2950]  }
0xba: {  	v1 =	vld [tilespmem:s13+$0x2960]  }
0xbb: {  	v0 =	vld [tilespmem:s13+$0x2970]  }
0xbc: {  	v12 =	vld [tilespmem:s13+$0x100]  }
0xbd: {  	v13 =	vld [tilespmem:s13+$0x110]  }
0xbe: {  	v10 =	vld [tilespmem:s13+$0x120]  }
0xbf: {  	v9 =	vld [tilespmem:s13+$0x130]  }
0xc0: {  	v8 =	vld [tilespmem:s13+$0x140]  }
0xc1: {  	v6 =	vld [tilespmem:s13+$0x150];
	v12 =	vmul.f32 v7, v12  }
0xc2: {  	s14 =	simm.s32 $0x200;
	v11 =	vmul.f32 v11, v13;
	v7 =	vld [tilespmem:s13+$0x160]  }
.LBB2_8:
0xc3: {  	s15 =	sshra.s32 s14, $0x2;
	p1 =	sne.s32 s14, $0x9E00;
	[tilespmem:s13+$0x100] =	vst v12;
	v5 =	vmul.f32 v5, v10;
	v10 =	vld [tilespmem:s13+$0x170]  }
0xc4: {  	v12 =	vld [tilespmem:s15+$0x2900];
	[tilespmem:s13+$0x110] =	vst v11;
	v4 =	vmul.f32 v4, v9  }
0xc5: {  	v11 =	vld [tilespmem:s15+$0x2910];
	[tilespmem:s13+$0x120] =	vst v5;
	v3 =	vmul.f32 v3, v8  }
0xc6: {  	v5 =	vld [tilespmem:s15+$0x2920];
	[tilespmem:s13+$0x130] =	vst v4;
	v2 =	vmul.f32 v2, v6  }
0xc7: {  	v4 =	vld [tilespmem:s15+$0x2930];
	[tilespmem:s13+$0x140] =	vst v3;
	v1 =	vmul.f32 v1, v7  }
0xc8: {  	v3 =	vld [tilespmem:s15+$0x2940];
	[tilespmem:s13+$0x150] =	vst v2;
	v0 =	vmul.f32 v0, v10  }
0xc9: {  	v2 =	vld [tilespmem:s15+$0x2950];
	[tilespmem:s13+$0x160] =	vst v1  }
0xca: {  	v1 =	vld [tilespmem:s15+$0x2960];
	[tilespmem:s13+$0x170] =	vst v0;
	s13 =	smov.u32 s15  }
0xcb: {  	v0 =	vld [tilespmem:s13+$0x2970]  }
0xcc: {  	v6 =	vld [tilespmem:s13+$0x100]  }
0xcd: {  	v7 =	vld [tilespmem:s13+$0x110]  }
.Ltmp3:
0xce: {  	v10 =	vld [tilespmem:s13+$0x120];
	(pc) =	sbr.rel @p1 .LBB2_8-.Ltmp3, $4  }
0xcf: {  	v9 =	vld [tilespmem:s13+$0x130]  }
0xd0: {  	v8 =	vld [tilespmem:s13+$0x140]  }
0xd1: {  	v12 =	vmul.f32 v12, v6;
	v6 =	vld [tilespmem:s13+$0x150]  }
0xd2: {  	s14 =	sadd.s32 $0x200, s14;
	v11 =	vmul.f32 v11, v7;
	v7 =	vld [tilespmem:s13+$0x160]  }
0xd3: {  	[tilespmem:s13+$0x100] =	vst v12;
	v5 =	vmul.f32 v5, v10;
	v63 =	vld [tilespmem:s13+$0x170]  }
0xd4: {  	[tilespmem:s13+$0x110] =	vst v11;
	v4 =	vmul.f32 v4, v9  }
0xd5: {  	[tilespmem:s13+$0x120] =	vst v5;
	v3 =	vmul.f32 v3, v8  }
0xd6: {  	[tilespmem:s13+$0x130] =	vst v4;
	v2 =	vmul.f32 v2, v6  }
0xd7: {  	[tilespmem:s13+$0x140] =	vst v3;
	v1 =	vmul.f32 v1, v7  }
0xd8: {  	[tilespmem:s13+$0x150] =	vst v2;
	v0 =	vmul.f32 v0, v63  }
0xd9: {  	[tilespmem:s13+$0x160] =	vst v1  }
0xda: {  	[tilespmem:s13+$0x170] =	vst v0  }
0xdb: {  	_ =	swait.ge [sflag:s0], $0x50  }
0xdc: {  	[sflag:s0] =	ssyncset.done $0x0  }
0xdd: {  	[sflag:s0] =	ssyncadd.s32 $0xFFFFFFB0  }
0xde: {  	[spmem:s4] =	stream.indirect.scatter.add.f32 [tilespmem:s23], [sflag:$0x7], $0x80, s21, s22, $0xb8;
	[tilespmem:$0x1DA80] =	vst v63  }
0xdf: {  	_ =	swait.ge [sflag:s19], $0x2800  }
0xe0: {  	[sflag:s19] =	ssyncset.done $0x0  }
0xe1: {  	[sflag:s19] =	ssyncadd.s32 $0xFFFFD800  }
0xe2: {  	[bflag:$0x0] =	sbarrier.arrive $0xFFFF  }
0xe3: {  	s17 =	rddreg [dreg:$0x8]  }
0xe4: {  	[hbm:s17], [sflag:s10] =	dma.local [spmem:s20], $0x2700  }
0xe5: {  	_ =	swait.ge [sflag:s19], $0x2700  }
0xe6: {  	[sflag:s19] =	ssyncset.done $0x0;
	s13 =	rddreg [dreg:$0x9]  }
0xe7: {  	s16 =	rddreg [dreg:$0xb];
	[sflag:s19] =	ssyncadd.s32 $0xFFFFD900  }
0xe8: {  	[hbm:s13], [sflag:s10] =	dma.local @!p0 [spmem:s16], $0x100  }
0xe9: {  	s13 =	simm.s32 @!p0 $0x7  }
0xea: {  	_ =	swait.ge @!p0 [sflag:s13], $0x100  }
0xeb: {  	s5 =	sadd.s32 $0x1, s5;
	s14 =	rddreg [dreg:$0xa]  }
0xec: {  	p1 =	sne.s32 s5, s14  }
.Ltmp4:
0xed: {  	_ = 	snop;
	(pc) =	sbr.rel @p1 .LBB2_1-.Ltmp4, $3  }
0xee: {  	_ =	sdelay $0x1  }
0xef: {  	[sflag:s13] =	ssyncset.done @!p0 $0x0  }
0xf0: {  	s15 =	smov.u32 s20;
	[sflag:s13] =	ssyncadd.s32 @!p0 $0xFFFFFF00  }
0xf1: {  	_ =	sfence.sel $0x180000  }
0xf2: {  	[bflag:$0x0] =	sbarrier.arrive $0xFFFF  }
0xf3: {  	_ =	strace $0x9000004A  }
0xf4: {  	s0 =	stileid.u32;
	[bflag:$0x2] =	sbarrier.arrive $0xFFFF  }
0xf5: {  	p0 =	sne.s32 s0, $0x0;
	s0 =	rddreg [dreg:$0x4]  }
0xf6: {  	s0 =	sadd.s32 @!p0 $0x100000, s0  }
0xf7: {  	[sflag:s0] =	ssyncadd.tile.s32 @!p0 $0x1;
	_ =	shalt  }
.Lfunc_end2:
_tile_overlayer_lowered:
.L_overlay_start_2:
0xf8: {  	(tag) =	ssettag $0x2  }
0xf9: {  	s0 =	rddreg [dreg:$0x0];
	s2 =	stileid.u32  }
0xfa: {  	s1 =	rddreg [dreg:$0x1];
	p0 =	sne.s32 s2, $0x0  }
0xfb: {  	s3 =	rddreg [dreg:$0x2];
	[bflag:$0x3] =	sbarrier.arrive $0xFFFF;
	s2 =	simm.s32 @!p0 $0x1C07  }
0xfc: {  	[timem:s3], [sflag:s2] =	dma.local @!p0 [hbm:s0], s1  }
0xfd: {  	s0 =	simm.s32 @!p0 $0x7  }
0xfe: {  	_ =	swait.ge @!p0 [sflag:s0], s1  }
0xff: {  	s1 =	ssub.s32 @!p0 $0x0, s1;
	[sflag:s0] =	ssyncset.done @!p0 $0x0  }
0x100: {  	[sflag:s0] =	ssyncadd.s32 @!p0 s1  }
0x101: {  	[bflag:$0x3] =	sbarrier.arrive $0xFFFF  }
0x102: {  	_ =	shalt  }

</sc_bundles>
